<compile_context>
chip_gen: v7x
topology: tpu7x:2x2x1
jax: 0.10.2.dev20260603
libtpu: 0.0.44.dev20260713+nightly
codegen_flags: <defaults>
</compile_context>

<pallas_src>
import functools

import jax
import jax.numpy as jnp
from jax import lax
from jax.experimental import pallas as pl
from jax.experimental.pallas import tpu as pltpu
from jax.experimental.pallas import tpu_sc as plsc


def _make_embed_kernel(N, D, NC, NS, chunk, nbuf):
    NW = NC * NS
    per_w = N // NW
    n_chunks = per_w // chunk
    prime = min(nbuf - 1, n_chunks)
    mesh = plsc.VectorSubcoreMesh(core_axis_name="c", subcore_axis_name="s")

    @functools.partial(
        pl.kernel,
        out_type=jax.ShapeDtypeStruct((N, D), jnp.float32),
        mesh=mesh,
        scratch_types=(
            [pltpu.VMEM((per_w,), jnp.int32)]
            + [pltpu.VMEM((chunk, D), jnp.float32) for _ in range(nbuf)]
            + [pltpu.SemaphoreType.DMA for _ in range(2 * nbuf)]
        ),
    )
    def k(tokens_hbm, table_hbm, out_hbm, idx_v, *rest):
        bufs = rest[:nbuf]
        gsems = rest[nbuf:2 * nbuf]
        wsems = rest[2 * nbuf:3 * nbuf]
        wid = lax.axis_index("s") * NC + lax.axis_index("c")
        base = wid * per_w
        S = tokens_hbm.shape[1]
        w_per_row = S // per_w
        pltpu.sync_copy(
            tokens_hbm.at[wid // w_per_row,
                          pl.ds((wid % w_per_row) * per_w, per_w)], idx_v)

        def gidx(j):
            return idx_v.at[pl.ds(j * chunk, chunk)]

        gfut = [None] * nbuf
        wfut = [None] * nbuf
        for j in range(prime):
            gfut[j] = pltpu.async_copy(
                table_hbm.at[gidx(j)], bufs[j], gsems[j])
        for j in range(n_chunks):
            b = j % nbuf
            nxt = j + prime
            if nxt < n_chunks:
                b2 = nxt % nbuf
                if wfut[b2] is not None:
                    wfut[b2].wait()
                gfut[b2] = pltpu.async_copy(
                    table_hbm.at[gidx(nxt)], bufs[b2], gsems[b2])
            gfut[b].wait()
            wfut[b] = pltpu.async_copy(
                bufs[b], out_hbm.at[pl.ds(base + j * chunk, chunk)], wsems[b])
        for j in range(max(0, n_chunks - nbuf), n_chunks):
            wfut[j % nbuf].wait()

    return k


def kernel(tokens, W_E):
    B, S = tokens.shape
    V, D = W_E.shape
    N = B * S
    info = plsc.get_sparse_core_info()
    NC, NS = info.num_cores, info.num_subcores
    NW = NC * NS
    chunk, nbuf = 16, 10
    out = _make_embed_kernel(N, D, NC, NS, chunk, nbuf)(tokens, W_E)
    return out.reshape(B, S, D)

# --- scband reference (transcript-rebuilt; emitter-appended) ---
"""Pipeline reference for scband-embed-85031762526777 (READ-ONLY COPY).

The authoritative reference and input builder live on the scoring server;
editing this copy changes nothing except your own understanding.
"""

import jax, jax.numpy as jnp
import numpy as np

D_VOCAB = 50257
D_MODEL = 768
BATCH = 4
SEQ = 2048
INIT_RANGE = 0.02


def setup_inputs(seed: int = 0) -> dict:
    key = jax.random.key(seed)
    k_tok, k_w = jax.random.split(key)
    tokens = jax.random.randint(k_tok, (BATCH, SEQ), 0, D_VOCAB, dtype=jnp.int64 if jax.config.jax_enable_x64 else jnp.int32)
    W_E = jax.random.normal(k_w, (D_VOCAB, D_MODEL), dtype=jnp.float32) * INIT_RANGE
    return {"tokens": tokens, "W_E": W_E}


def reference(tokens, W_E):
    # Faithful translation of Embed.forward: embed = self.W_E[tokens, :]
    embed = jnp.take(W_E, tokens, axis=0)
    return embed

if __name__ == "__main__":
    import jax
    _d = setup_inputs()
    print(jax.jit(kernel)(*tuple(_d.values())))

</pallas_src>

<mosaic_0001>
#map = affine_map<(d0, d1) -> (0, 0)>
module attributes {stable_mosaic.version = 14 : i64} {
  func.func @k(%arg0: i32, %arg1: i32, %arg2: memref<4x2048xi32, #tpu.memory_space<hbm>>, %arg3: memref<50257x768xf32, #tpu.memory_space<hbm>>, %arg4: memref<8192x768xf32, #tpu.memory_space<hbm>>, %arg5: memref<256xi32, #tpu.memory_space<vmem>>, %arg6: memref<16x768xf32, #tpu.memory_space<vmem>>, %arg7: memref<16x768xf32, #tpu.memory_space<vmem>>, %arg8: memref<16x768xf32, #tpu.memory_space<vmem>>, %arg9: memref<16x768xf32, #tpu.memory_space<vmem>>, %arg10: memref<16x768xf32, #tpu.memory_space<vmem>>, %arg11: memref<16x768xf32, #tpu.memory_space<vmem>>, %arg12: memref<16x768xf32, #tpu.memory_space<vmem>>, %arg13: memref<16x768xf32, #tpu.memory_space<vmem>>, %arg14: memref<16x768xf32, #tpu.memory_space<vmem>>, %arg15: memref<16x768xf32, #tpu.memory_space<vmem>>, %arg16: memref<!tpu.dma_semaphore, #tpu.memory_space<semaphore_mem>>, %arg17: memref<!tpu.dma_semaphore, #tpu.memory_space<semaphore_mem>>, %arg18: memref<!tpu.dma_semaphore, #tpu.memory_space<semaphore_mem>>, %arg19: memref<!tpu.dma_semaphore, #tpu.memory_space<semaphore_mem>>, %arg20: memref<!tpu.dma_semaphore, #tpu.memory_space<semaphore_mem>>, %arg21: memref<!tpu.dma_semaphore, #tpu.memory_space<semaphore_mem>>, %arg22: memref<!tpu.dma_semaphore, #tpu.memory_space<semaphore_mem>>, %arg23: memref<!tpu.dma_semaphore, #tpu.memory_space<semaphore_mem>>, %arg24: memref<!tpu.dma_semaphore, #tpu.memory_space<semaphore_mem>>, %arg25: memref<!tpu.dma_semaphore, #tpu.memory_space<semaphore_mem>>, %arg26: memref<!tpu.dma_semaphore, #tpu.memory_space<semaphore_mem>>, %arg27: memref<!tpu.dma_semaphore, #tpu.memory_space<semaphore_mem>>, %arg28: memref<!tpu.dma_semaphore, #tpu.memory_space<semaphore_mem>>, %arg29: memref<!tpu.dma_semaphore, #tpu.memory_space<semaphore_mem>>, %arg30: memref<!tpu.dma_semaphore, #tpu.memory_space<semaphore_mem>>, %arg31: memref<!tpu.dma_semaphore, #tpu.memory_space<semaphore_mem>>, %arg32: memref<!tpu.dma_semaphore, #tpu.memory_space<semaphore_mem>>, %arg33: memref<!tpu.dma_semaphore, #tpu.memory_space<semaphore_mem>>, %arg34: memref<!tpu.dma_semaphore, #tpu.memory_space<semaphore_mem>>, %arg35: memref<!tpu.dma_semaphore, #tpu.memory_space<semaphore_mem>>) attributes {dimension_semantics = [#tpu.dimension_semantics<core_parallel>, #tpu.dimension_semantics<subcore_parallel>], iteration_bounds = array<i64: 2, 16>, scalar_prefetch = 0 : i64, scratch_operands = 31 : i64, tpu.core_type = #tpu.core_type<sc_vector_subcore>, window_params = [{transform_indices = #map}, {transform_indices = #map}, {transform_indices = #map}]} {
    %mul3A = arith.constant 2 : i32
    %mul3A_0 = arith.muli %arg1, %mul3A : i32
    %add3A = arith.addi %mul3A_0, %arg0 : i32
    %mul3A_1 = arith.constant 256 : i32
    %mul3A_2 = arith.muli %add3A, %mul3A_1 : i32
    %jit3A = arith.constant 8 : i32
    %div3A = arith.divsi %add3A, %jit3A : i32
    %sign3A = arith.constant 0 : i32
    %sign3A_3 = arith.cmpi sgt, %add3A, %sign3A : i32
    %sign3A_4 = arith.extui %sign3A_3 : i1 to i32
    %sign3A_5 = arith.constant 0 : i32
    %sign3A_6 = arith.cmpi slt, %add3A, %sign3A_5 : i32
    %sign3A_7 = arith.extui %sign3A_6 : i1 to i32
    %sign3A_8 = arith.subi %sign3A_4, %sign3A_7 : i32
    %sign3A_9 = arith.constant 0 : i32
    %sign3A_10 = arith.cmpi sgt, %jit3A, %sign3A_9 : i32
    %sign3A_11 = arith.extui %sign3A_10 : i1 to i32
    %sign3A_12 = arith.constant 0 : i32
    %sign3A_13 = arith.cmpi slt, %jit3A, %sign3A_12 : i32
    %sign3A_14 = arith.extui %sign3A_13 : i1 to i32
    %sign3A_15 = arith.subi %sign3A_11, %sign3A_14 : i32
    %ne3A = arith.cmpi ne, %sign3A_8, %sign3A_15 : i32
    %rem3A = arith.remsi %add3A, %jit3A : i32
    %ne3A_16 = arith.constant 0 : i32
    %ne3A_17 = arith.cmpi ne, %rem3A, %ne3A_16 : i32
    %and3A = arith.andi %ne3A, %ne3A_17 : i1
    %sub3A = arith.constant 1 : i32
    %sub3A_18 = arith.subi %div3A, %sub3A : i32
    %select_n3A = arith.select %and3A, %sub3A_18, %div3A : i32
    %jit3A_19 = arith.constant 8 : i32
    %eq3A = arith.constant 0 : i32
    %eq3A_20 = arith.cmpi eq, %jit3A_19, %eq3A : i32
    %jit3A_21 = arith.constant 1 : i32
    %select_n3A_22 = arith.select %eq3A_20, %jit3A_21, %jit3A_19 : i32
    %rem3A_23 = arith.remsi %add3A, %select_n3A_22 : i32
    %ne3A_24 = arith.constant 0 : i32
    %ne3A_25 = arith.cmpi ne, %rem3A_23, %ne3A_24 : i32
    %lt3A = arith.constant 0 : i32
    %lt3A_26 = arith.cmpi slt, %rem3A_23, %lt3A : i32
    %lt3A_27 = arith.constant 0 : i32
    %lt3A_28 = arith.cmpi slt, %select_n3A_22, %lt3A_27 : i32
    %ne3A_29 = arith.xori %lt3A_26, %lt3A_28 : i1
    %and3A_30 = arith.andi %ne3A_29, %ne3A_25 : i1
    %add3A_31 = arith.addi %rem3A_23, %select_n3A_22 : i32
    %select_n3A_32 = arith.select %and3A_30, %add3A_31, %rem3A_23 : i32
    %mul3A_33 = arith.constant 256 : i32
    %mul3A_34 = arith.muli %select_n3A_32, %mul3A_33 : i32
    "tpu.region"() ({
      %run_scoped3A = tpu.sem_alloc : memref<!tpu.dma_semaphore, #tpu.memory_space<semaphore_mem>>
      %dma_start3A_353 = tpu.memref_slice %arg2[%select_n3A, %mul3A_34] : memref<4x2048xi32, #tpu.memory_space<hbm>> -> memref<1x256xi32, #tpu.memory_space<hbm>>
      %dma_start3A_354 = tpu.memref_squeeze %dma_start3A_353 : memref<1x256xi32, #tpu.memory_space<hbm>> -> memref<256xi32, #tpu.memory_space<hbm>>
      %dma_start3A_355 = tpu.memref_slice %arg2[%select_n3A, %mul3A_34] : memref<4x2048xi32, #tpu.memory_space<hbm>> -> memref<1x256xi32, #tpu.memory_space<hbm>>
      %dma_start3A_356 = tpu.memref_squeeze %dma_start3A_355 : memref<1x256xi32, #tpu.memory_space<hbm>> -> memref<256xi32, #tpu.memory_space<hbm>>
      tpu.enqueue_dma source(%dma_start3A_356 : memref<256xi32, #tpu.memory_space<hbm>>) target(%arg5 : memref<256xi32, #tpu.memory_space<vmem>>) target_semaphore(%run_scoped3A : memref<!tpu.dma_semaphore, #tpu.memory_space<semaphore_mem>>)
      %dma_wait3A_357 = tpu.memref_slice %arg2[%select_n3A, %mul3A_34] : memref<4x2048xi32, #tpu.memory_space<hbm>> -> memref<1x256xi32, #tpu.memory_space<hbm>>
      %dma_wait3A_358 = tpu.memref_squeeze %dma_wait3A_357 : memref<1x256xi32, #tpu.memory_space<hbm>> -> memref<256xi32, #tpu.memory_space<hbm>>
      %dma_wait3A_359 = tpu.memref_slice %arg2[%select_n3A, %mul3A_34] : memref<4x2048xi32, #tpu.memory_space<hbm>> -> memref<1x256xi32, #tpu.memory_space<hbm>>
      %dma_wait3A_360 = tpu.memref_squeeze %dma_wait3A_359 : memref<1x256xi32, #tpu.memory_space<hbm>> -> memref<256xi32, #tpu.memory_space<hbm>>
      tpu.wait_dma2 semaphore(%run_scoped3A : memref<!tpu.dma_semaphore, #tpu.memory_space<semaphore_mem>>) src(%dma_wait3A_360 : memref<256xi32, #tpu.memory_space<hbm>>) dst(%arg5 : memref<256xi32, #tpu.memory_space<vmem>>)
      tpu.yield
    }) : () -> ()
    %dma_start3A = arith.constant 0 : i32
    %dma_start3A_35 = tpu.memref_slice %arg5[%dma_start3A] : memref<256xi32, #tpu.memory_space<vmem>> -> memref<16xi32, #tpu.memory_space<vmem>>
    %dma_start3A_36 = arith.constant 0 : i32
    %dma_start3A_37 = arith.constant 0 : i32
    %dma_start3A_38 = tpu.memref_slice %arg3[%dma_start3A_36, %dma_start3A_37] : memref<50257x768xf32, #tpu.memory_space<hbm>> -> memref<50257x768xf32, #tpu.memory_space<hbm>>
    tpu.enqueue_indirect_dma source(%dma_start3A_38 : memref<50257x768xf32, #tpu.memory_space<hbm>>) target(%arg6 : memref<16x768xf32, #tpu.memory_space<vmem>>) offsets(%dma_start3A_35 : memref<16xi32, #tpu.memory_space<vmem>>) semaphore(%arg16 : memref<!tpu.dma_semaphore, #tpu.memory_space<semaphore_mem>>)
    %dma_start3A_39 = arith.constant 16 : i32
    %dma_start3A_40 = tpu.memref_slice %arg5[%dma_start3A_39] : memref<256xi32, #tpu.memory_space<vmem>> -> memref<16xi32, #tpu.memory_space<vmem>>
    %dma_start3A_41 = arith.constant 0 : i32
    %dma_start3A_42 = arith.constant 0 : i32
    %dma_start3A_43 = tpu.memref_slice %arg3[%dma_start3A_41, %dma_start3A_42] : memref<50257x768xf32, #tpu.memory_space<hbm>> -> memref<50257x768xf32, #tpu.memory_space<hbm>>
    tpu.enqueue_indirect_dma source(%dma_start3A_43 : memref<50257x768xf32, #tpu.memory_space<hbm>>) target(%arg7 : memref<16x768xf32, #tpu.memory_space<vmem>>) offsets(%dma_start3A_40 : memref<16xi32, #tpu.memory_space<vmem>>) semaphore(%arg17 : memref<!tpu.dma_semaphore, #tpu.memory_space<semaphore_mem>>)
    %dma_start3A_44 = arith.constant 32 : i32
    %dma_start3A_45 = tpu.memref_slice %arg5[%dma_start3A_44] : memref<256xi32, #tpu.memory_space<vmem>> -> memref<16xi32, #tpu.memory_space<vmem>>
    %dma_start3A_46 = arith.constant 0 : i32
    %dma_start3A_47 = arith.constant 0 : i32
    %dma_start3A_48 = tpu.memref_slice %arg3[%dma_start3A_46, %dma_start3A_47] : memref<50257x768xf32, #tpu.memory_space<hbm>> -> memref<50257x768xf32, #tpu.memory_space<hbm>>
    tpu.enqueue_indirect_dma source(%dma_start3A_48 : memref<50257x768xf32, #tpu.memory_space<hbm>>) target(%arg8 : memref<16x768xf32, #tpu.memory_space<vmem>>) offsets(%dma_start3A_45 : memref<16xi32, #tpu.memory_space<vmem>>) semaphore(%arg18 : memref<!tpu.dma_semaphore, #tpu.memory_space<semaphore_mem>>)
    %dma_start3A_49 = arith.constant 48 : i32
    %dma_start3A_50 = tpu.memref_slice %arg5[%dma_start3A_49] : memref<256xi32, #tpu.memory_space<vmem>> -> memref<16xi32, #tpu.memory_space<vmem>>
    %dma_start3A_51 = arith.constant 0 : i32
    %dma_start3A_52 = arith.constant 0 : i32
    %dma_start3A_53 = tpu.memref_slice %arg3[%dma_start3A_51, %dma_start3A_52] : memref<50257x768xf32, #tpu.memory_space<hbm>> -> memref<50257x768xf32, #tpu.memory_space<hbm>>
    tpu.enqueue_indirect_dma source(%dma_start3A_53 : memref<50257x768xf32, #tpu.memory_space<hbm>>) target(%arg9 : memref<16x768xf32, #tpu.memory_space<vmem>>) offsets(%dma_start3A_50 : memref<16xi32, #tpu.memory_space<vmem>>) semaphore(%arg19 : memref<!tpu.dma_semaphore, #tpu.memory_space<semaphore_mem>>)
    %dma_start3A_54 = arith.constant 64 : i32
    %dma_start3A_55 = tpu.memref_slice %arg5[%dma_start3A_54] : memref<256xi32, #tpu.memory_space<vmem>> -> memref<16xi32, #tpu.memory_space<vmem>>
    %dma_start3A_56 = arith.constant 0 : i32
    %dma_start3A_57 = arith.constant 0 : i32
    %dma_start3A_58 = tpu.memref_slice %arg3[%dma_start3A_56, %dma_start3A_57] : memref<50257x768xf32, #tpu.memory_space<hbm>> -> memref<50257x768xf32, #tpu.memory_space<hbm>>
    tpu.enqueue_indirect_dma source(%dma_start3A_58 : memref<50257x768xf32, #tpu.memory_space<hbm>>) target(%arg10 : memref<16x768xf32, #tpu.memory_space<vmem>>) offsets(%dma_start3A_55 : memref<16xi32, #tpu.memory_space<vmem>>) semaphore(%arg20 : memref<!tpu.dma_semaphore, #tpu.memory_space<semaphore_mem>>)
    %dma_start3A_59 = arith.constant 80 : i32
    %dma_start3A_60 = tpu.memref_slice %arg5[%dma_start3A_59] : memref<256xi32, #tpu.memory_space<vmem>> -> memref<16xi32, #tpu.memory_space<vmem>>
    %dma_start3A_61 = arith.constant 0 : i32
    %dma_start3A_62 = arith.constant 0 : i32
    %dma_start3A_63 = tpu.memref_slice %arg3[%dma_start3A_61, %dma_start3A_62] : memref<50257x768xf32, #tpu.memory_space<hbm>> -> memref<50257x768xf32, #tpu.memory_space<hbm>>
    tpu.enqueue_indirect_dma source(%dma_start3A_63 : memref<50257x768xf32, #tpu.memory_space<hbm>>) target(%arg11 : memref<16x768xf32, #tpu.memory_space<vmem>>) offsets(%dma_start3A_60 : memref<16xi32, #tpu.memory_space<vmem>>) semaphore(%arg21 : memref<!tpu.dma_semaphore, #tpu.memory_space<semaphore_mem>>)
    %dma_start3A_64 = arith.constant 96 : i32
    %dma_start3A_65 = tpu.memref_slice %arg5[%dma_start3A_64] : memref<256xi32, #tpu.memory_space<vmem>> -> memref<16xi32, #tpu.memory_space<vmem>>
    %dma_start3A_66 = arith.constant 0 : i32
    %dma_start3A_67 = arith.constant 0 : i32
    %dma_start3A_68 = tpu.memref_slice %arg3[%dma_start3A_66, %dma_start3A_67] : memref<50257x768xf32, #tpu.memory_space<hbm>> -> memref<50257x768xf32, #tpu.memory_space<hbm>>
    tpu.enqueue_indirect_dma source(%dma_start3A_68 : memref<50257x768xf32, #tpu.memory_space<hbm>>) target(%arg12 : memref<16x768xf32, #tpu.memory_space<vmem>>) offsets(%dma_start3A_65 : memref<16xi32, #tpu.memory_space<vmem>>) semaphore(%arg22 : memref<!tpu.dma_semaphore, #tpu.memory_space<semaphore_mem>>)
    %dma_start3A_69 = arith.constant 112 : i32
    %dma_start3A_70 = tpu.memref_slice %arg5[%dma_start3A_69] : memref<256xi32, #tpu.memory_space<vmem>> -> memref<16xi32, #tpu.memory_space<vmem>>
    %dma_start3A_71 = arith.constant 0 : i32
    %dma_start3A_72 = arith.constant 0 : i32
    %dma_start3A_73 = tpu.memref_slice %arg3[%dma_start3A_71, %dma_start3A_72] : memref<50257x768xf32, #tpu.memory_space<hbm>> -> memref<50257x768xf32, #tpu.memory_space<hbm>>
    tpu.enqueue_indirect_dma source(%dma_start3A_73 : memref<50257x768xf32, #tpu.memory_space<hbm>>) target(%arg13 : memref<16x768xf32, #tpu.memory_space<vmem>>) offsets(%dma_start3A_70 : memref<16xi32, #tpu.memory_space<vmem>>) semaphore(%arg23 : memref<!tpu.dma_semaphore, #tpu.memory_space<semaphore_mem>>)
    %dma_start3A_74 = arith.constant 128 : i32
    %dma_start3A_75 = tpu.memref_slice %arg5[%dma_start3A_74] : memref<256xi32, #tpu.memory_space<vmem>> -> memref<16xi32, #tpu.memory_space<vmem>>
    %dma_start3A_76 = arith.constant 0 : i32
    %dma_start3A_77 = arith.constant 0 : i32
    %dma_start3A_78 = tpu.memref_slice %arg3[%dma_start3A_76, %dma_start3A_77] : memref<50257x768xf32, #tpu.memory_space<hbm>> -> memref<50257x768xf32, #tpu.memory_space<hbm>>
    tpu.enqueue_indirect_dma source(%dma_start3A_78 : memref<50257x768xf32, #tpu.memory_space<hbm>>) target(%arg14 : memref<16x768xf32, #tpu.memory_space<vmem>>) offsets(%dma_start3A_75 : memref<16xi32, #tpu.memory_space<vmem>>) semaphore(%arg24 : memref<!tpu.dma_semaphore, #tpu.memory_space<semaphore_mem>>)
    %dma_start3A_79 = arith.constant 144 : i32
    %dma_start3A_80 = tpu.memref_slice %arg5[%dma_start3A_79] : memref<256xi32, #tpu.memory_space<vmem>> -> memref<16xi32, #tpu.memory_space<vmem>>
    %dma_start3A_81 = arith.constant 0 : i32
    %dma_start3A_82 = arith.constant 0 : i32
    %dma_start3A_83 = tpu.memref_slice %arg3[%dma_start3A_81, %dma_start3A_82] : memref<50257x768xf32, #tpu.memory_space<hbm>> -> memref<50257x768xf32, #tpu.memory_space<hbm>>
    tpu.enqueue_indirect_dma source(%dma_start3A_83 : memref<50257x768xf32, #tpu.memory_space<hbm>>) target(%arg15 : memref<16x768xf32, #tpu.memory_space<vmem>>) offsets(%dma_start3A_80 : memref<16xi32, #tpu.memory_space<vmem>>) semaphore(%arg25 : memref<!tpu.dma_semaphore, #tpu.memory_space<semaphore_mem>>)
    %dma_wait3A = arith.constant 0 : i32
    %dma_wait3A_84 = tpu.memref_slice %arg5[%dma_wait3A] : memref<256xi32, #tpu.memory_space<vmem>> -> memref<16xi32, #tpu.memory_space<vmem>>
    %dma_wait3A_85 = arith.constant 0 : i32
    %dma_wait3A_86 = arith.constant 0 : i32
    %dma_wait3A_87 = tpu.memref_slice %arg3[%dma_wait3A_85, %dma_wait3A_86] : memref<50257x768xf32, #tpu.memory_space<hbm>> -> memref<50257x768xf32, #tpu.memory_space<hbm>>
    tpu.wait_indirect_dma semaphore(%arg16 : memref<!tpu.dma_semaphore, #tpu.memory_space<semaphore_mem>>) src(%dma_wait3A_87 : memref<50257x768xf32, #tpu.memory_space<hbm>>) dst(%arg6 : memref<16x768xf32, #tpu.memory_space<vmem>>)
    %add3A_88 = arith.constant 0 : i32
    %add3A_89 = arith.addi %mul3A_2, %add3A_88 : i32
    %dma_start3A_90 = arith.constant 0 : i32
    %dma_start3A_91 = tpu.memref_slice %arg4[%add3A_89, %dma_start3A_90] : memref<8192x768xf32, #tpu.memory_space<hbm>> -> memref<16x768xf32, #tpu.memory_space<hbm>>
    %dma_start3A_92 = arith.constant 0 : i32
    %dma_start3A_93 = tpu.memref_slice %arg4[%add3A_89, %dma_start3A_92] : memref<8192x768xf32, #tpu.memory_space<hbm>> -> memref<16x768xf32, #tpu.memory_space<hbm>>
    tpu.enqueue_dma source(%arg6 : memref<16x768xf32, #tpu.memory_space<vmem>>) target(%dma_start3A_93 : memref<16x768xf32, #tpu.memory_space<hbm>>) target_semaphore(%arg26 : memref<!tpu.dma_semaphore, #tpu.memory_space<semaphore_mem>>)
    %dma_wait3A_94 = arith.constant 0 : i32
    %dma_wait3A_95 = tpu.memref_slice %arg4[%add3A_89, %dma_wait3A_94] : memref<8192x768xf32, #tpu.memory_space<hbm>> -> memref<16x768xf32, #tpu.memory_space<hbm>>
    %dma_wait3A_96 = arith.constant 0 : i32
    %dma_wait3A_97 = tpu.memref_slice %arg4[%add3A_89, %dma_wait3A_96] : memref<8192x768xf32, #tpu.memory_space<hbm>> -> memref<16x768xf32, #tpu.memory_space<hbm>>
    tpu.wait_dma2 semaphore(%arg26 : memref<!tpu.dma_semaphore, #tpu.memory_space<semaphore_mem>>) src(%arg6 : memref<16x768xf32, #tpu.memory_space<vmem>>) dst(%dma_wait3A_97 : memref<16x768xf32, #tpu.memory_space<hbm>>)
    %dma_start3A_98 = arith.constant 160 : i32
    %dma_start3A_99 = tpu.memref_slice %arg5[%dma_start3A_98] : memref<256xi32, #tpu.memory_space<vmem>> -> memref<16xi32, #tpu.memory_space<vmem>>
    %dma_start3A_100 = arith.constant 0 : i32
    %dma_start3A_101 = arith.constant 0 : i32
    %dma_start3A_102 = tpu.memref_slice %arg3[%dma_start3A_100, %dma_start3A_101] : memref<50257x768xf32, #tpu.memory_space<hbm>> -> memref<50257x768xf32, #tpu.memory_space<hbm>>
    tpu.enqueue_indirect_dma source(%dma_start3A_102 : memref<50257x768xf32, #tpu.memory_space<hbm>>) target(%arg6 : memref<16x768xf32, #tpu.memory_space<vmem>>) offsets(%dma_start3A_99 : memref<16xi32, #tpu.memory_space<vmem>>) semaphore(%arg16 : memref<!tpu.dma_semaphore, #tpu.memory_space<semaphore_mem>>)
    %dma_wait3A_103 = arith.constant 16 : i32
    %dma_wait3A_104 = tpu.memref_slice %arg5[%dma_wait3A_103] : memref<256xi32, #tpu.memory_space<vmem>> -> memref<16xi32, #tpu.memory_space<vmem>>
    %dma_wait3A_105 = arith.constant 0 : i32
    %dma_wait3A_106 = arith.constant 0 : i32
    %dma_wait3A_107 = tpu.memref_slice %arg3[%dma_wait3A_105, %dma_wait3A_106] : memref<50257x768xf32, #tpu.memory_space<hbm>> -> memref<50257x768xf32, #tpu.memory_space<hbm>>
    tpu.wait_indirect_dma semaphore(%arg17 : memref<!tpu.dma_semaphore, #tpu.memory_space<semaphore_mem>>) src(%dma_wait3A_107 : memref<50257x768xf32, #tpu.memory_space<hbm>>) dst(%arg7 : memref<16x768xf32, #tpu.memory_space<vmem>>)
    %add3A_108 = arith.constant 16 : i32
    %add3A_109 = arith.addi %mul3A_2, %add3A_108 : i32
    %dma_start3A_110 = arith.constant 0 : i32
    %dma_start3A_111 = tpu.memref_slice %arg4[%add3A_109, %dma_start3A_110] : memref<8192x768xf32, #tpu.memory_space<hbm>> -> memref<16x768xf32, #tpu.memory_space<hbm>>
    %dma_start3A_112 = arith.constant 0 : i32
    %dma_start3A_113 = tpu.memref_slice %arg4[%add3A_109, %dma_start3A_112] : memref<8192x768xf32, #tpu.memory_space<hbm>> -> memref<16x768xf32, #tpu.memory_space<hbm>>
    tpu.enqueue_dma source(%arg7 : memref<16x768xf32, #tpu.memory_space<vmem>>) target(%dma_start3A_113 : memref<16x768xf32, #tpu.memory_space<hbm>>) target_semaphore(%arg27 : memref<!tpu.dma_semaphore, #tpu.memory_space<semaphore_mem>>)
    %dma_wait3A_114 = arith.constant 0 : i32
    %dma_wait3A_115 = tpu.memref_slice %arg4[%add3A_109, %dma_wait3A_114] : memref<8192x768xf32, #tpu.memory_space<hbm>> -> memref<16x768xf32, #tpu.memory_space<hbm>>
    %dma_wait3A_116 = arith.constant 0 : i32
    %dma_wait3A_117 = tpu.memref_slice %arg4[%add3A_109, %dma_wait3A_116] : memref<8192x768xf32, #tpu.memory_space<hbm>> -> memref<16x768xf32, #tpu.memory_space<hbm>>
    tpu.wait_dma2 semaphore(%arg27 : memref<!tpu.dma_semaphore, #tpu.memory_space<semaphore_mem>>) src(%arg7 : memref<16x768xf32, #tpu.memory_space<vmem>>) dst(%dma_wait3A_117 : memref<16x768xf32, #tpu.memory_space<hbm>>)
    %dma_start3A_118 = arith.constant 176 : i32
    %dma_start3A_119 = tpu.memref_slice %arg5[%dma_start3A_118] : memref<256xi32, #tpu.memory_space<vmem>> -> memref<16xi32, #tpu.memory_space<vmem>>
    %dma_start3A_120 = arith.constant 0 : i32
    %dma_start3A_121 = arith.constant 0 : i32
    %dma_start3A_122 = tpu.memref_slice %arg3[%dma_start3A_120, %dma_start3A_121] : memref<50257x768xf32, #tpu.memory_space<hbm>> -> memref<50257x768xf32, #tpu.memory_space<hbm>>
    tpu.enqueue_indirect_dma source(%dma_start3A_122 : memref<50257x768xf32, #tpu.memory_space<hbm>>) target(%arg7 : memref<16x768xf32, #tpu.memory_space<vmem>>) offsets(%dma_start3A_119 : memref<16xi32, #tpu.memory_space<vmem>>) semaphore(%arg17 : memref<!tpu.dma_semaphore, #tpu.memory_space<semaphore_mem>>)
    %dma_wait3A_123 = arith.constant 32 : i32
    %dma_wait3A_124 = tpu.memref_slice %arg5[%dma_wait3A_123] : memref<256xi32, #tpu.memory_space<vmem>> -> memref<16xi32, #tpu.memory_space<vmem>>
    %dma_wait3A_125 = arith.constant 0 : i32
    %dma_wait3A_126 = arith.constant 0 : i32
    %dma_wait3A_127 = tpu.memref_slice %arg3[%dma_wait3A_125, %dma_wait3A_126] : memref<50257x768xf32, #tpu.memory_space<hbm>> -> memref<50257x768xf32, #tpu.memory_space<hbm>>
    tpu.wait_indirect_dma semaphore(%arg18 : memref<!tpu.dma_semaphore, #tpu.memory_space<semaphore_mem>>) src(%dma_wait3A_127 : memref<50257x768xf32, #tpu.memory_space<hbm>>) dst(%arg8 : memref<16x768xf32, #tpu.memory_space<vmem>>)
    %add3A_128 = arith.constant 32 : i32
    %add3A_129 = arith.addi %mul3A_2, %add3A_128 : i32
    %dma_start3A_130 = arith.constant 0 : i32
    %dma_start3A_131 = tpu.memref_slice %arg4[%add3A_129, %dma_start3A_130] : memref<8192x768xf32, #tpu.memory_space<hbm>> -> memref<16x768xf32, #tpu.memory_space<hbm>>
    %dma_start3A_132 = arith.constant 0 : i32
    %dma_start3A_133 = tpu.memref_slice %arg4[%add3A_129, %dma_start3A_132] : memref<8192x768xf32, #tpu.memory_space<hbm>> -> memref<16x768xf32, #tpu.memory_space<hbm>>
    tpu.enqueue_dma source(%arg8 : memref<16x768xf32, #tpu.memory_space<vmem>>) target(%dma_start3A_133 : memref<16x768xf32, #tpu.memory_space<hbm>>) target_semaphore(%arg28 : memref<!tpu.dma_semaphore, #tpu.memory_space<semaphore_mem>>)
    %dma_wait3A_134 = arith.constant 0 : i32
    %dma_wait3A_135 = tpu.memref_slice %arg4[%add3A_129, %dma_wait3A_134] : memref<8192x768xf32, #tpu.memory_space<hbm>> -> memref<16x768xf32, #tpu.memory_space<hbm>>
    %dma_wait3A_136 = arith.constant 0 : i32
    %dma_wait3A_137 = tpu.memref_slice %arg4[%add3A_129, %dma_wait3A_136] : memref<8192x768xf32, #tpu.memory_space<hbm>> -> memref<16x768xf32, #tpu.memory_space<hbm>>
    tpu.wait_dma2 semaphore(%arg28 : memref<!tpu.dma_semaphore, #tpu.memory_space<semaphore_mem>>) src(%arg8 : memref<16x768xf32, #tpu.memory_space<vmem>>) dst(%dma_wait3A_137 : memref<16x768xf32, #tpu.memory_space<hbm>>)
    %dma_start3A_138 = arith.constant 192 : i32
    %dma_start3A_139 = tpu.memref_slice %arg5[%dma_start3A_138] : memref<256xi32, #tpu.memory_space<vmem>> -> memref<16xi32, #tpu.memory_space<vmem>>
    %dma_start3A_140 = arith.constant 0 : i32
    %dma_start3A_141 = arith.constant 0 : i32
    %dma_start3A_142 = tpu.memref_slice %arg3[%dma_start3A_140, %dma_start3A_141] : memref<50257x768xf32, #tpu.memory_space<hbm>> -> memref<50257x768xf32, #tpu.memory_space<hbm>>
    tpu.enqueue_indirect_dma source(%dma_start3A_142 : memref<50257x768xf32, #tpu.memory_space<hbm>>) target(%arg8 : memref<16x768xf32, #tpu.memory_space<vmem>>) offsets(%dma_start3A_139 : memref<16xi32, #tpu.memory_space<vmem>>) semaphore(%arg18 : memref<!tpu.dma_semaphore, #tpu.memory_space<semaphore_mem>>)
    %dma_wait3A_143 = arith.constant 48 : i32
    %dma_wait3A_144 = tpu.memref_slice %arg5[%dma_wait3A_143] : memref<256xi32, #tpu.memory_space<vmem>> -> memref<16xi32, #tpu.memory_space<vmem>>
    %dma_wait3A_145 = arith.constant 0 : i32
    %dma_wait3A_146 = arith.constant 0 : i32
    %dma_wait3A_147 = tpu.memref_slice %arg3[%dma_wait3A_145, %dma_wait3A_146] : memref<50257x768xf32, #tpu.memory_space<hbm>> -> memref<50257x768xf32, #tpu.memory_space<hbm>>
    tpu.wait_indirect_dma semaphore(%arg19 : memref<!tpu.dma_semaphore, #tpu.memory_space<semaphore_mem>>) src(%dma_wait3A_147 : memref<50257x768xf32, #tpu.memory_space<hbm>>) dst(%arg9 : memref<16x768xf32, #tpu.memory_space<vmem>>)
    %add3A_148 = arith.constant 48 : i32
    %add3A_149 = arith.addi %mul3A_2, %add3A_148 : i32
    %dma_start3A_150 = arith.constant 0 : i32
    %dma_start3A_151 = tpu.memref_slice %arg4[%add3A_149, %dma_start3A_150] : memref<8192x768xf32, #tpu.memory_space<hbm>> -> memref<16x768xf32, #tpu.memory_space<hbm>>
    %dma_start3A_152 = arith.constant 0 : i32
    %dma_start3A_153 = tpu.memref_slice %arg4[%add3A_149, %dma_start3A_152] : memref<8192x768xf32, #tpu.memory_space<hbm>> -> memref<16x768xf32, #tpu.memory_space<hbm>>
    tpu.enqueue_dma source(%arg9 : memref<16x768xf32, #tpu.memory_space<vmem>>) target(%dma_start3A_153 : memref<16x768xf32, #tpu.memory_space<hbm>>) target_semaphore(%arg29 : memref<!tpu.dma_semaphore, #tpu.memory_space<semaphore_mem>>)
    %dma_wait3A_154 = arith.constant 0 : i32
    %dma_wait3A_155 = tpu.memref_slice %arg4[%add3A_149, %dma_wait3A_154] : memref<8192x768xf32, #tpu.memory_space<hbm>> -> memref<16x768xf32, #tpu.memory_space<hbm>>
    %dma_wait3A_156 = arith.constant 0 : i32
    %dma_wait3A_157 = tpu.memref_slice %arg4[%add3A_149, %dma_wait3A_156] : memref<8192x768xf32, #tpu.memory_space<hbm>> -> memref<16x768xf32, #tpu.memory_space<hbm>>
    tpu.wait_dma2 semaphore(%arg29 : memref<!tpu.dma_semaphore, #tpu.memory_space<semaphore_mem>>) src(%arg9 : memref<16x768xf32, #tpu.memory_space<vmem>>) dst(%dma_wait3A_157 : memref<16x768xf32, #tpu.memory_space<hbm>>)
    %dma_start3A_158 = arith.constant 208 : i32
    %dma_start3A_159 = tpu.memref_slice %arg5[%dma_start3A_158] : memref<256xi32, #tpu.memory_space<vmem>> -> memref<16xi32, #tpu.memory_space<vmem>>
    %dma_start3A_160 = arith.constant 0 : i32
    %dma_start3A_161 = arith.constant 0 : i32
    %dma_start3A_162 = tpu.memref_slice %arg3[%dma_start3A_160, %dma_start3A_161] : memref<50257x768xf32, #tpu.memory_space<hbm>> -> memref<50257x768xf32, #tpu.memory_space<hbm>>
    tpu.enqueue_indirect_dma source(%dma_start3A_162 : memref<50257x768xf32, #tpu.memory_space<hbm>>) target(%arg9 : memref<16x768xf32, #tpu.memory_space<vmem>>) offsets(%dma_start3A_159 : memref<16xi32, #tpu.memory_space<vmem>>) semaphore(%arg19 : memref<!tpu.dma_semaphore, #tpu.memory_space<semaphore_mem>>)
    %dma_wait3A_163 = arith.constant 64 : i32
    %dma_wait3A_164 = tpu.memref_slice %arg5[%dma_wait3A_163] : memref<256xi32, #tpu.memory_space<vmem>> -> memref<16xi32, #tpu.memory_space<vmem>>
    %dma_wait3A_165 = arith.constant 0 : i32
    %dma_wait3A_166 = arith.constant 0 : i32
    %dma_wait3A_167 = tpu.memref_slice %arg3[%dma_wait3A_165, %dma_wait3A_166] : memref<50257x768xf32, #tpu.memory_space<hbm>> -> memref<50257x768xf32, #tpu.memory_space<hbm>>
    tpu.wait_indirect_dma semaphore(%arg20 : memref<!tpu.dma_semaphore, #tpu.memory_space<semaphore_mem>>) src(%dma_wait3A_167 : memref<50257x768xf32, #tpu.memory_space<hbm>>) dst(%arg10 : memref<16x768xf32, #tpu.memory_space<vmem>>)
    %add3A_168 = arith.constant 64 : i32
    %add3A_169 = arith.addi %mul3A_2, %add3A_168 : i32
    %dma_start3A_170 = arith.constant 0 : i32
    %dma_start3A_171 = tpu.memref_slice %arg4[%add3A_169, %dma_start3A_170] : memref<8192x768xf32, #tpu.memory_space<hbm>> -> memref<16x768xf32, #tpu.memory_space<hbm>>
    %dma_start3A_172 = arith.constant 0 : i32
    %dma_start3A_173 = tpu.memref_slice %arg4[%add3A_169, %dma_start3A_172] : memref<8192x768xf32, #tpu.memory_space<hbm>> -> memref<16x768xf32, #tpu.memory_space<hbm>>
    tpu.enqueue_dma source(%arg10 : memref<16x768xf32, #tpu.memory_space<vmem>>) target(%dma_start3A_173 : memref<16x768xf32, #tpu.memory_space<hbm>>) target_semaphore(%arg30 : memref<!tpu.dma_semaphore, #tpu.memory_space<semaphore_mem>>)
    %dma_wait3A_174 = arith.constant 0 : i32
    %dma_wait3A_175 = tpu.memref_slice %arg4[%add3A_169, %dma_wait3A_174] : memref<8192x768xf32, #tpu.memory_space<hbm>> -> memref<16x768xf32, #tpu.memory_space<hbm>>
    %dma_wait3A_176 = arith.constant 0 : i32
    %dma_wait3A_177 = tpu.memref_slice %arg4[%add3A_169, %dma_wait3A_176] : memref<8192x768xf32, #tpu.memory_space<hbm>> -> memref<16x768xf32, #tpu.memory_space<hbm>>
    tpu.wait_dma2 semaphore(%arg30 : memref<!tpu.dma_semaphore, #tpu.memory_space<semaphore_mem>>) src(%arg10 : memref<16x768xf32, #tpu.memory_space<vmem>>) dst(%dma_wait3A_177 : memref<16x768xf32, #tpu.memory_space<hbm>>)
    %dma_start3A_178 = arith.constant 224 : i32
    %dma_start3A_179 = tpu.memref_slice %arg5[%dma_start3A_178] : memref<256xi32, #tpu.memory_space<vmem>> -> memref<16xi32, #tpu.memory_space<vmem>>
    %dma_start3A_180 = arith.constant 0 : i32
    %dma_start3A_181 = arith.constant 0 : i32
    %dma_start3A_182 = tpu.memref_slice %arg3[%dma_start3A_180, %dma_start3A_181] : memref<50257x768xf32, #tpu.memory_space<hbm>> -> memref<50257x768xf32, #tpu.memory_space<hbm>>
    tpu.enqueue_indirect_dma source(%dma_start3A_182 : memref<50257x768xf32, #tpu.memory_space<hbm>>) target(%arg10 : memref<16x768xf32, #tpu.memory_space<vmem>>) offsets(%dma_start3A_179 : memref<16xi32, #tpu.memory_space<vmem>>) semaphore(%arg20 : memref<!tpu.dma_semaphore, #tpu.memory_space<semaphore_mem>>)
    %dma_wait3A_183 = arith.constant 80 : i32
    %dma_wait3A_184 = tpu.memref_slice %arg5[%dma_wait3A_183] : memref<256xi32, #tpu.memory_space<vmem>> -> memref<16xi32, #tpu.memory_space<vmem>>
    %dma_wait3A_185 = arith.constant 0 : i32
    %dma_wait3A_186 = arith.constant 0 : i32
    %dma_wait3A_187 = tpu.memref_slice %arg3[%dma_wait3A_185, %dma_wait3A_186] : memref<50257x768xf32, #tpu.memory_space<hbm>> -> memref<50257x768xf32, #tpu.memory_space<hbm>>
    tpu.wait_indirect_dma semaphore(%arg21 : memref<!tpu.dma_semaphore, #tpu.memory_space<semaphore_mem>>) src(%dma_wait3A_187 : memref<50257x768xf32, #tpu.memory_space<hbm>>) dst(%arg11 : memref<16x768xf32, #tpu.memory_space<vmem>>)
    %add3A_188 = arith.constant 80 : i32
    %add3A_189 = arith.addi %mul3A_2, %add3A_188 : i32
    %dma_start3A_190 = arith.constant 0 : i32
    %dma_start3A_191 = tpu.memref_slice %arg4[%add3A_189, %dma_start3A_190] : memref<8192x768xf32, #tpu.memory_space<hbm>> -> memref<16x768xf32, #tpu.memory_space<hbm>>
    %dma_start3A_192 = arith.constant 0 : i32
    %dma_start3A_193 = tpu.memref_slice %arg4[%add3A_189, %dma_start3A_192] : memref<8192x768xf32, #tpu.memory_space<hbm>> -> memref<16x768xf32, #tpu.memory_space<hbm>>
    tpu.enqueue_dma source(%arg11 : memref<16x768xf32, #tpu.memory_space<vmem>>) target(%dma_start3A_193 : memref<16x768xf32, #tpu.memory_space<hbm>>) target_semaphore(%arg31 : memref<!tpu.dma_semaphore, #tpu.memory_space<semaphore_mem>>)
    %dma_wait3A_194 = arith.constant 0 : i32
    %dma_wait3A_195 = tpu.memref_slice %arg4[%add3A_189, %dma_wait3A_194] : memref<8192x768xf32, #tpu.memory_space<hbm>> -> memref<16x768xf32, #tpu.memory_space<hbm>>
    %dma_wait3A_196 = arith.constant 0 : i32
    %dma_wait3A_197 = tpu.memref_slice %arg4[%add3A_189, %dma_wait3A_196] : memref<8192x768xf32, #tpu.memory_space<hbm>> -> memref<16x768xf32, #tpu.memory_space<hbm>>
    tpu.wait_dma2 semaphore(%arg31 : memref<!tpu.dma_semaphore, #tpu.memory_space<semaphore_mem>>) src(%arg11 : memref<16x768xf32, #tpu.memory_space<vmem>>) dst(%dma_wait3A_197 : memref<16x768xf32, #tpu.memory_space<hbm>>)
    %dma_start3A_198 = arith.constant 240 : i32
    %dma_start3A_199 = tpu.memref_slice %arg5[%dma_start3A_198] : memref<256xi32, #tpu.memory_space<vmem>> -> memref<16xi32, #tpu.memory_space<vmem>>
    %dma_start3A_200 = arith.constant 0 : i32
    %dma_start3A_201 = arith.constant 0 : i32
    %dma_start3A_202 = tpu.memref_slice %arg3[%dma_start3A_200, %dma_start3A_201] : memref<50257x768xf32, #tpu.memory_space<hbm>> -> memref<50257x768xf32, #tpu.memory_space<hbm>>
    tpu.enqueue_indirect_dma source(%dma_start3A_202 : memref<50257x768xf32, #tpu.memory_space<hbm>>) target(%arg11 : memref<16x768xf32, #tpu.memory_space<vmem>>) offsets(%dma_start3A_199 : memref<16xi32, #tpu.memory_space<vmem>>) semaphore(%arg21 : memref<!tpu.dma_semaphore, #tpu.memory_space<semaphore_mem>>)
    %dma_wait3A_203 = arith.constant 96 : i32
    %dma_wait3A_204 = tpu.memref_slice %arg5[%dma_wait3A_203] : memref<256xi32, #tpu.memory_space<vmem>> -> memref<16xi32, #tpu.memory_space<vmem>>
    %dma_wait3A_205 = arith.constant 0 : i32
    %dma_wait3A_206 = arith.constant 0 : i32
    %dma_wait3A_207 = tpu.memref_slice %arg3[%dma_wait3A_205, %dma_wait3A_206] : memref<50257x768xf32, #tpu.memory_space<hbm>> -> memref<50257x768xf32, #tpu.memory_space<hbm>>
    tpu.wait_indirect_dma semaphore(%arg22 : memref<!tpu.dma_semaphore, #tpu.memory_space<semaphore_mem>>) src(%dma_wait3A_207 : memref<50257x768xf32, #tpu.memory_space<hbm>>) dst(%arg12 : memref<16x768xf32, #tpu.memory_space<vmem>>)
    %add3A_208 = arith.constant 96 : i32
    %add3A_209 = arith.addi %mul3A_2, %add3A_208 : i32
    %dma_start3A_210 = arith.constant 0 : i32
    %dma_start3A_211 = tpu.memref_slice %arg4[%add3A_209, %dma_start3A_210] : memref<8192x768xf32, #tpu.memory_space<hbm>> -> memref<16x768xf32, #tpu.memory_space<hbm>>
    %dma_start3A_212 = arith.constant 0 : i32
    %dma_start3A_213 = tpu.memref_slice %arg4[%add3A_209, %dma_start3A_212] : memref<8192x768xf32, #tpu.memory_space<hbm>> -> memref<16x768xf32, #tpu.memory_space<hbm>>
    tpu.enqueue_dma source(%arg12 : memref<16x768xf32, #tpu.memory_space<vmem>>) target(%dma_start3A_213 : memref<16x768xf32, #tpu.memory_space<hbm>>) target_semaphore(%arg32 : memref<!tpu.dma_semaphore, #tpu.memory_space<semaphore_mem>>)
    %dma_wait3A_214 = arith.constant 112 : i32
    %dma_wait3A_215 = tpu.memref_slice %arg5[%dma_wait3A_214] : memref<256xi32, #tpu.memory_space<vmem>> -> memref<16xi32, #tpu.memory_space<vmem>>
    %dma_wait3A_216 = arith.constant 0 : i32
    %dma_wait3A_217 = arith.constant 0 : i32
    %dma_wait3A_218 = tpu.memref_slice %arg3[%dma_wait3A_216, %dma_wait3A_217] : memref<50257x768xf32, #tpu.memory_space<hbm>> -> memref<50257x768xf32, #tpu.memory_space<hbm>>
    tpu.wait_indirect_dma semaphore(%arg23 : memref<!tpu.dma_semaphore, #tpu.memory_space<semaphore_mem>>) src(%dma_wait3A_218 : memref<50257x768xf32, #tpu.memory_space<hbm>>) dst(%arg13 : memref<16x768xf32, #tpu.memory_space<vmem>>)
    %add3A_219 = arith.constant 112 : i32
    %add3A_220 = arith.addi %mul3A_2, %add3A_219 : i32
    %dma_start3A_221 = arith.constant 0 : i32
    %dma_start3A_222 = tpu.memref_slice %arg4[%add3A_220, %dma_start3A_221] : memref<8192x768xf32, #tpu.memory_space<hbm>> -> memref<16x768xf32, #tpu.memory_space<hbm>>
    %dma_start3A_223 = arith.constant 0 : i32
    %dma_start3A_224 = tpu.memref_slice %arg4[%add3A_220, %dma_start3A_223] : memref<8192x768xf32, #tpu.memory_space<hbm>> -> memref<16x768xf32, #tpu.memory_space<hbm>>
    tpu.enqueue_dma source(%arg13 : memref<16x768xf32, #tpu.memory_space<vmem>>) target(%dma_start3A_224 : memref<16x768xf32, #tpu.memory_space<hbm>>) target_semaphore(%arg33 : memref<!tpu.dma_semaphore, #tpu.memory_space<semaphore_mem>>)
    %dma_wait3A_225 = arith.constant 128 : i32
    %dma_wait3A_226 = tpu.memref_slice %arg5[%dma_wait3A_225] : memref<256xi32, #tpu.memory_space<vmem>> -> memref<16xi32, #tpu.memory_space<vmem>>
    %dma_wait3A_227 = arith.constant 0 : i32
    %dma_wait3A_228 = arith.constant 0 : i32
    %dma_wait3A_229 = tpu.memref_slice %arg3[%dma_wait3A_227, %dma_wait3A_228] : memref<50257x768xf32, #tpu.memory_space<hbm>> -> memref<50257x768xf32, #tpu.memory_space<hbm>>
    tpu.wait_indirect_dma semaphore(%arg24 : memref<!tpu.dma_semaphore, #tpu.memory_space<semaphore_mem>>) src(%dma_wait3A_229 : memref<50257x768xf32, #tpu.memory_space<hbm>>) dst(%arg14 : memref<16x768xf32, #tpu.memory_space<vmem>>)
    %add3A_230 = arith.constant 128 : i32
    %add3A_231 = arith.addi %mul3A_2, %add3A_230 : i32
    %dma_start3A_232 = arith.constant 0 : i32
    %dma_start3A_233 = tpu.memref_slice %arg4[%add3A_231, %dma_start3A_232] : memref<8192x768xf32, #tpu.memory_space<hbm>> -> memref<16x768xf32, #tpu.memory_space<hbm>>
    %dma_start3A_234 = arith.constant 0 : i32
    %dma_start3A_235 = tpu.memref_slice %arg4[%add3A_231, %dma_start3A_234] : memref<8192x768xf32, #tpu.memory_space<hbm>> -> memref<16x768xf32, #tpu.memory_space<hbm>>
    tpu.enqueue_dma source(%arg14 : memref<16x768xf32, #tpu.memory_space<vmem>>) target(%dma_start3A_235 : memref<16x768xf32, #tpu.memory_space<hbm>>) target_semaphore(%arg34 : memref<!tpu.dma_semaphore, #tpu.memory_space<semaphore_mem>>)
    %dma_wait3A_236 = arith.constant 144 : i32
    %dma_wait3A_237 = tpu.memref_slice %arg5[%dma_wait3A_236] : memref<256xi32, #tpu.memory_space<vmem>> -> memref<16xi32, #tpu.memory_space<vmem>>
    %dma_wait3A_238 = arith.constant 0 : i32
    %dma_wait3A_239 = arith.constant 0 : i32
    %dma_wait3A_240 = tpu.memref_slice %arg3[%dma_wait3A_238, %dma_wait3A_239] : memref<50257x768xf32, #tpu.memory_space<hbm>> -> memref<50257x768xf32, #tpu.memory_space<hbm>>
    tpu.wait_indirect_dma semaphore(%arg25 : memref<!tpu.dma_semaphore, #tpu.memory_space<semaphore_mem>>) src(%dma_wait3A_240 : memref<50257x768xf32, #tpu.memory_space<hbm>>) dst(%arg15 : memref<16x768xf32, #tpu.memory_space<vmem>>)
    %add3A_241 = arith.constant 144 : i32
    %add3A_242 = arith.addi %mul3A_2, %add3A_241 : i32
    %dma_start3A_243 = arith.constant 0 : i32
    %dma_start3A_244 = tpu.memref_slice %arg4[%add3A_242, %dma_start3A_243] : memref<8192x768xf32, #tpu.memory_space<hbm>> -> memref<16x768xf32, #tpu.memory_space<hbm>>
    %dma_start3A_245 = arith.constant 0 : i32
    %dma_start3A_246 = tpu.memref_slice %arg4[%add3A_242, %dma_start3A_245] : memref<8192x768xf32, #tpu.memory_space<hbm>> -> memref<16x768xf32, #tpu.memory_space<hbm>>
    tpu.enqueue_dma source(%arg15 : memref<16x768xf32, #tpu.memory_space<vmem>>) target(%dma_start3A_246 : memref<16x768xf32, #tpu.memory_space<hbm>>) target_semaphore(%arg35 : memref<!tpu.dma_semaphore, #tpu.memory_space<semaphore_mem>>)
    %dma_wait3A_247 = arith.constant 160 : i32
    %dma_wait3A_248 = tpu.memref_slice %arg5[%dma_wait3A_247] : memref<256xi32, #tpu.memory_space<vmem>> -> memref<16xi32, #tpu.memory_space<vmem>>
    %dma_wait3A_249 = arith.constant 0 : i32
    %dma_wait3A_250 = arith.constant 0 : i32
    %dma_wait3A_251 = tpu.memref_slice %arg3[%dma_wait3A_249, %dma_wait3A_250] : memref<50257x768xf32, #tpu.memory_space<hbm>> -> memref<50257x768xf32, #tpu.memory_space<hbm>>
    tpu.wait_indirect_dma semaphore(%arg16 : memref<!tpu.dma_semaphore, #tpu.memory_space<semaphore_mem>>) src(%dma_wait3A_251 : memref<50257x768xf32, #tpu.memory_space<hbm>>) dst(%arg6 : memref<16x768xf32, #tpu.memory_space<vmem>>)
    %add3A_252 = arith.constant 160 : i32
    %add3A_253 = arith.addi %mul3A_2, %add3A_252 : i32
    %dma_start3A_254 = arith.constant 0 : i32
    %dma_start3A_255 = tpu.memref_slice %arg4[%add3A_253, %dma_start3A_254] : memref<8192x768xf32, #tpu.memory_space<hbm>> -> memref<16x768xf32, #tpu.memory_space<hbm>>
    %dma_start3A_256 = arith.constant 0 : i32
    %dma_start3A_257 = tpu.memref_slice %arg4[%add3A_253, %dma_start3A_256] : memref<8192x768xf32, #tpu.memory_space<hbm>> -> memref<16x768xf32, #tpu.memory_space<hbm>>
    tpu.enqueue_dma source(%arg6 : memref<16x768xf32, #tpu.memory_space<vmem>>) target(%dma_start3A_257 : memref<16x768xf32, #tpu.memory_space<hbm>>) target_semaphore(%arg26 : memref<!tpu.dma_semaphore, #tpu.memory_space<semaphore_mem>>)
    %dma_wait3A_258 = arith.constant 176 : i32
    %dma_wait3A_259 = tpu.memref_slice %arg5[%dma_wait3A_258] : memref<256xi32, #tpu.memory_space<vmem>> -> memref<16xi32, #tpu.memory_space<vmem>>
    %dma_wait3A_260 = arith.constant 0 : i32
    %dma_wait3A_261 = arith.constant 0 : i32
    %dma_wait3A_262 = tpu.memref_slice %arg3[%dma_wait3A_260, %dma_wait3A_261] : memref<50257x768xf32, #tpu.memory_space<hbm>> -> memref<50257x768xf32, #tpu.memory_space<hbm>>
    tpu.wait_indirect_dma semaphore(%arg17 : memref<!tpu.dma_semaphore, #tpu.memory_space<semaphore_mem>>) src(%dma_wait3A_262 : memref<50257x768xf32, #tpu.memory_space<hbm>>) dst(%arg7 : memref<16x768xf32, #tpu.memory_space<vmem>>)
    %add3A_263 = arith.constant 176 : i32
    %add3A_264 = arith.addi %mul3A_2, %add3A_263 : i32
    %dma_start3A_265 = arith.constant 0 : i32
    %dma_start3A_266 = tpu.memref_slice %arg4[%add3A_264, %dma_start3A_265] : memref<8192x768xf32, #tpu.memory_space<hbm>> -> memref<16x768xf32, #tpu.memory_space<hbm>>
    %dma_start3A_267 = arith.constant 0 : i32
    %dma_start3A_268 = tpu.memref_slice %arg4[%add3A_264, %dma_start3A_267] : memref<8192x768xf32, #tpu.memory_space<hbm>> -> memref<16x768xf32, #tpu.memory_space<hbm>>
    tpu.enqueue_dma source(%arg7 : memref<16x768xf32, #tpu.memory_space<vmem>>) target(%dma_start3A_268 : memref<16x768xf32, #tpu.memory_space<hbm>>) target_semaphore(%arg27 : memref<!tpu.dma_semaphore, #tpu.memory_space<semaphore_mem>>)
    %dma_wait3A_269 = arith.constant 192 : i32
    %dma_wait3A_270 = tpu.memref_slice %arg5[%dma_wait3A_269] : memref<256xi32, #tpu.memory_space<vmem>> -> memref<16xi32, #tpu.memory_space<vmem>>
    %dma_wait3A_271 = arith.constant 0 : i32
    %dma_wait3A_272 = arith.constant 0 : i32
    %dma_wait3A_273 = tpu.memref_slice %arg3[%dma_wait3A_271, %dma_wait3A_272] : memref<50257x768xf32, #tpu.memory_space<hbm>> -> memref<50257x768xf32, #tpu.memory_space<hbm>>
    tpu.wait_indirect_dma semaphore(%arg18 : memref<!tpu.dma_semaphore, #tpu.memory_space<semaphore_mem>>) src(%dma_wait3A_273 : memref<50257x768xf32, #tpu.memory_space<hbm>>) dst(%arg8 : memref<16x768xf32, #tpu.memory_space<vmem>>)
    %add3A_274 = arith.constant 192 : i32
    %add3A_275 = arith.addi %mul3A_2, %add3A_274 : i32
    %dma_start3A_276 = arith.constant 0 : i32
    %dma_start3A_277 = tpu.memref_slice %arg4[%add3A_275, %dma_start3A_276] : memref<8192x768xf32, #tpu.memory_space<hbm>> -> memref<16x768xf32, #tpu.memory_space<hbm>>
    %dma_start3A_278 = arith.constant 0 : i32
    %dma_start3A_279 = tpu.memref_slice %arg4[%add3A_275, %dma_start3A_278] : memref<8192x768xf32, #tpu.memory_space<hbm>> -> memref<16x768xf32, #tpu.memory_space<hbm>>
    tpu.enqueue_dma source(%arg8 : memref<16x768xf32, #tpu.memory_space<vmem>>) target(%dma_start3A_279 : memref<16x768xf32, #tpu.memory_space<hbm>>) target_semaphore(%arg28 : memref<!tpu.dma_semaphore, #tpu.memory_space<semaphore_mem>>)
    %dma_wait3A_280 = arith.constant 208 : i32
    %dma_wait3A_281 = tpu.memref_slice %arg5[%dma_wait3A_280] : memref<256xi32, #tpu.memory_space<vmem>> -> memref<16xi32, #tpu.memory_space<vmem>>
    %dma_wait3A_282 = arith.constant 0 : i32
    %dma_wait3A_283 = arith.constant 0 : i32
    %dma_wait3A_284 = tpu.memref_slice %arg3[%dma_wait3A_282, %dma_wait3A_283] : memref<50257x768xf32, #tpu.memory_space<hbm>> -> memref<50257x768xf32, #tpu.memory_space<hbm>>
    tpu.wait_indirect_dma semaphore(%arg19 : memref<!tpu.dma_semaphore, #tpu.memory_space<semaphore_mem>>) src(%dma_wait3A_284 : memref<50257x768xf32, #tpu.memory_space<hbm>>) dst(%arg9 : memref<16x768xf32, #tpu.memory_space<vmem>>)
    %add3A_285 = arith.constant 208 : i32
    %add3A_286 = arith.addi %mul3A_2, %add3A_285 : i32
    %dma_start3A_287 = arith.constant 0 : i32
    %dma_start3A_288 = tpu.memref_slice %arg4[%add3A_286, %dma_start3A_287] : memref<8192x768xf32, #tpu.memory_space<hbm>> -> memref<16x768xf32, #tpu.memory_space<hbm>>
    %dma_start3A_289 = arith.constant 0 : i32
    %dma_start3A_290 = tpu.memref_slice %arg4[%add3A_286, %dma_start3A_289] : memref<8192x768xf32, #tpu.memory_space<hbm>> -> memref<16x768xf32, #tpu.memory_space<hbm>>
    tpu.enqueue_dma source(%arg9 : memref<16x768xf32, #tpu.memory_space<vmem>>) target(%dma_start3A_290 : memref<16x768xf32, #tpu.memory_space<hbm>>) target_semaphore(%arg29 : memref<!tpu.dma_semaphore, #tpu.memory_space<semaphore_mem>>)
    %dma_wait3A_291 = arith.constant 224 : i32
    %dma_wait3A_292 = tpu.memref_slice %arg5[%dma_wait3A_291] : memref<256xi32, #tpu.memory_space<vmem>> -> memref<16xi32, #tpu.memory_space<vmem>>
    %dma_wait3A_293 = arith.constant 0 : i32
    %dma_wait3A_294 = arith.constant 0 : i32
    %dma_wait3A_295 = tpu.memref_slice %arg3[%dma_wait3A_293, %dma_wait3A_294] : memref<50257x768xf32, #tpu.memory_space<hbm>> -> memref<50257x768xf32, #tpu.memory_space<hbm>>
    tpu.wait_indirect_dma semaphore(%arg20 : memref<!tpu.dma_semaphore, #tpu.memory_space<semaphore_mem>>) src(%dma_wait3A_295 : memref<50257x768xf32, #tpu.memory_space<hbm>>) dst(%arg10 : memref<16x768xf32, #tpu.memory_space<vmem>>)
    %add3A_296 = arith.constant 224 : i32
    %add3A_297 = arith.addi %mul3A_2, %add3A_296 : i32
    %dma_start3A_298 = arith.constant 0 : i32
    %dma_start3A_299 = tpu.memref_slice %arg4[%add3A_297, %dma_start3A_298] : memref<8192x768xf32, #tpu.memory_space<hbm>> -> memref<16x768xf32, #tpu.memory_space<hbm>>
    %dma_start3A_300 = arith.constant 0 : i32
    %dma_start3A_301 = tpu.memref_slice %arg4[%add3A_297, %dma_start3A_300] : memref<8192x768xf32, #tpu.memory_space<hbm>> -> memref<16x768xf32, #tpu.memory_space<hbm>>
    tpu.enqueue_dma source(%arg10 : memref<16x768xf32, #tpu.memory_space<vmem>>) target(%dma_start3A_301 : memref<16x768xf32, #tpu.memory_space<hbm>>) target_semaphore(%arg30 : memref<!tpu.dma_semaphore, #tpu.memory_space<semaphore_mem>>)
    %dma_wait3A_302 = arith.constant 240 : i32
    %dma_wait3A_303 = tpu.memref_slice %arg5[%dma_wait3A_302] : memref<256xi32, #tpu.memory_space<vmem>> -> memref<16xi32, #tpu.memory_space<vmem>>
    %dma_wait3A_304 = arith.constant 0 : i32
    %dma_wait3A_305 = arith.constant 0 : i32
    %dma_wait3A_306 = tpu.memref_slice %arg3[%dma_wait3A_304, %dma_wait3A_305] : memref<50257x768xf32, #tpu.memory_space<hbm>> -> memref<50257x768xf32, #tpu.memory_space<hbm>>
    tpu.wait_indirect_dma semaphore(%arg21 : memref<!tpu.dma_semaphore, #tpu.memory_space<semaphore_mem>>) src(%dma_wait3A_306 : memref<50257x768xf32, #tpu.memory_space<hbm>>) dst(%arg11 : memref<16x768xf32, #tpu.memory_space<vmem>>)
    %add3A_307 = arith.constant 240 : i32
    %add3A_308 = arith.addi %mul3A_2, %add3A_307 : i32
    %dma_start3A_309 = arith.constant 0 : i32
    %dma_start3A_310 = tpu.memref_slice %arg4[%add3A_308, %dma_start3A_309] : memref<8192x768xf32, #tpu.memory_space<hbm>> -> memref<16x768xf32, #tpu.memory_space<hbm>>
    %dma_start3A_311 = arith.constant 0 : i32
    %dma_start3A_312 = tpu.memref_slice %arg4[%add3A_308, %dma_start3A_311] : memref<8192x768xf32, #tpu.memory_space<hbm>> -> memref<16x768xf32, #tpu.memory_space<hbm>>
    tpu.enqueue_dma source(%arg11 : memref<16x768xf32, #tpu.memory_space<vmem>>) target(%dma_start3A_312 : memref<16x768xf32, #tpu.memory_space<hbm>>) target_semaphore(%arg31 : memref<!tpu.dma_semaphore, #tpu.memory_space<semaphore_mem>>)
    %dma_wait3A_313 = arith.constant 0 : i32
    %dma_wait3A_314 = tpu.memref_slice %arg4[%add3A_209, %dma_wait3A_313] : memref<8192x768xf32, #tpu.memory_space<hbm>> -> memref<16x768xf32, #tpu.memory_space<hbm>>
    %dma_wait3A_315 = arith.constant 0 : i32
    %dma_wait3A_316 = tpu.memref_slice %arg4[%add3A_209, %dma_wait3A_315] : memref<8192x768xf32, #tpu.memory_space<hbm>> -> memref<16x768xf32, #tpu.memory_space<hbm>>
    tpu.wait_dma2 semaphore(%arg32 : memref<!tpu.dma_semaphore, #tpu.memory_space<semaphore_mem>>) src(%arg12 : memref<16x768xf32, #tpu.memory_space<vmem>>) dst(%dma_wait3A_316 : memref<16x768xf32, #tpu.memory_space<hbm>>)
    %dma_wait3A_317 = arith.constant 0 : i32
    %dma_wait3A_318 = tpu.memref_slice %arg4[%add3A_220, %dma_wait3A_317] : memref<8192x768xf32, #tpu.memory_space<hbm>> -> memref<16x768xf32, #tpu.memory_space<hbm>>
    %dma_wait3A_319 = arith.constant 0 : i32
    %dma_wait3A_320 = tpu.memref_slice %arg4[%add3A_220, %dma_wait3A_319] : memref<8192x768xf32, #tpu.memory_space<hbm>> -> memref<16x768xf32, #tpu.memory_space<hbm>>
    tpu.wait_dma2 semaphore(%arg33 : memref<!tpu.dma_semaphore, #tpu.memory_space<semaphore_mem>>) src(%arg13 : memref<16x768xf32, #tpu.memory_space<vmem>>) dst(%dma_wait3A_320 : memref<16x768xf32, #tpu.memory_space<hbm>>)
    %dma_wait3A_321 = arith.constant 0 : i32
    %dma_wait3A_322 = tpu.memref_slice %arg4[%add3A_231, %dma_wait3A_321] : memref<8192x768xf32, #tpu.memory_space<hbm>> -> memref<16x768xf32, #tpu.memory_space<hbm>>
    %dma_wait3A_323 = arith.constant 0 : i32
    %dma_wait3A_324 = tpu.memref_slice %arg4[%add3A_231, %dma_wait3A_323] : memref<8192x768xf32, #tpu.memory_space<hbm>> -> memref<16x768xf32, #tpu.memory_space<hbm>>
    tpu.wait_dma2 semaphore(%arg34 : memref<!tpu.dma_semaphore, #tpu.memory_space<semaphore_mem>>) src(%arg14 : memref<16x768xf32, #tpu.memory_space<vmem>>) dst(%dma_wait3A_324 : memref<16x768xf32, #tpu.memory_space<hbm>>)
    %dma_wait3A_325 = arith.constant 0 : i32
    %dma_wait3A_326 = tpu.memref_slice %arg4[%add3A_242, %dma_wait3A_325] : memref<8192x768xf32, #tpu.memory_space<hbm>> -> memref<16x768xf32, #tpu.memory_space<hbm>>
    %dma_wait3A_327 = arith.constant 0 : i32
    %dma_wait3A_328 = tpu.memref_slice %arg4[%add3A_242, %dma_wait3A_327] : memref<8192x768xf32, #tpu.memory_space<hbm>> -> memref<16x768xf32, #tpu.memory_space<hbm>>
    tpu.wait_dma2 semaphore(%arg35 : memref<!tpu.dma_semaphore, #tpu.memory_space<semaphore_mem>>) src(%arg15 : memref<16x768xf32, #tpu.memory_space<vmem>>) dst(%dma_wait3A_328 : memref<16x768xf32, #tpu.memory_space<hbm>>)
    %dma_wait3A_329 = arith.constant 0 : i32
    %dma_wait3A_330 = tpu.memref_slice %arg4[%add3A_253, %dma_wait3A_329] : memref<8192x768xf32, #tpu.memory_space<hbm>> -> memref<16x768xf32, #tpu.memory_space<hbm>>
    %dma_wait3A_331 = arith.constant 0 : i32
    %dma_wait3A_332 = tpu.memref_slice %arg4[%add3A_253, %dma_wait3A_331] : memref<8192x768xf32, #tpu.memory_space<hbm>> -> memref<16x768xf32, #tpu.memory_space<hbm>>
    tpu.wait_dma2 semaphore(%arg26 : memref<!tpu.dma_semaphore, #tpu.memory_space<semaphore_mem>>) src(%arg6 : memref<16x768xf32, #tpu.memory_space<vmem>>) dst(%dma_wait3A_332 : memref<16x768xf32, #tpu.memory_space<hbm>>)
    %dma_wait3A_333 = arith.constant 0 : i32
    %dma_wait3A_334 = tpu.memref_slice %arg4[%add3A_264, %dma_wait3A_333] : memref<8192x768xf32, #tpu.memory_space<hbm>> -> memref<16x768xf32, #tpu.memory_space<hbm>>
    %dma_wait3A_335 = arith.constant 0 : i32
    %dma_wait3A_336 = tpu.memref_slice %arg4[%add3A_264, %dma_wait3A_335] : memref<8192x768xf32, #tpu.memory_space<hbm>> -> memref<16x768xf32, #tpu.memory_space<hbm>>
    tpu.wait_dma2 semaphore(%arg27 : memref<!tpu.dma_semaphore, #tpu.memory_space<semaphore_mem>>) src(%arg7 : memref<16x768xf32, #tpu.memory_space<vmem>>) dst(%dma_wait3A_336 : memref<16x768xf32, #tpu.memory_space<hbm>>)
    %dma_wait3A_337 = arith.constant 0 : i32
    %dma_wait3A_338 = tpu.memref_slice %arg4[%add3A_275, %dma_wait3A_337] : memref<8192x768xf32, #tpu.memory_space<hbm>> -> memref<16x768xf32, #tpu.memory_space<hbm>>
    %dma_wait3A_339 = arith.constant 0 : i32
    %dma_wait3A_340 = tpu.memref_slice %arg4[%add3A_275, %dma_wait3A_339] : memref<8192x768xf32, #tpu.memory_space<hbm>> -> memref<16x768xf32, #tpu.memory_space<hbm>>
    tpu.wait_dma2 semaphore(%arg28 : memref<!tpu.dma_semaphore, #tpu.memory_space<semaphore_mem>>) src(%arg8 : memref<16x768xf32, #tpu.memory_space<vmem>>) dst(%dma_wait3A_340 : memref<16x768xf32, #tpu.memory_space<hbm>>)
    %dma_wait3A_341 = arith.constant 0 : i32
    %dma_wait3A_342 = tpu.memref_slice %arg4[%add3A_286, %dma_wait3A_341] : memref<8192x768xf32, #tpu.memory_space<hbm>> -> memref<16x768xf32, #tpu.memory_space<hbm>>
    %dma_wait3A_343 = arith.constant 0 : i32
    %dma_wait3A_344 = tpu.memref_slice %arg4[%add3A_286, %dma_wait3A_343] : memref<8192x768xf32, #tpu.memory_space<hbm>> -> memref<16x768xf32, #tpu.memory_space<hbm>>
    tpu.wait_dma2 semaphore(%arg29 : memref<!tpu.dma_semaphore, #tpu.memory_space<semaphore_mem>>) src(%arg9 : memref<16x768xf32, #tpu.memory_space<vmem>>) dst(%dma_wait3A_344 : memref<16x768xf32, #tpu.memory_space<hbm>>)
    %dma_wait3A_345 = arith.constant 0 : i32
    %dma_wait3A_346 = tpu.memref_slice %arg4[%add3A_297, %dma_wait3A_345] : memref<8192x768xf32, #tpu.memory_space<hbm>> -> memref<16x768xf32, #tpu.memory_space<hbm>>
    %dma_wait3A_347 = arith.constant 0 : i32
    %dma_wait3A_348 = tpu.memref_slice %arg4[%add3A_297, %dma_wait3A_347] : memref<8192x768xf32, #tpu.memory_space<hbm>> -> memref<16x768xf32, #tpu.memory_space<hbm>>
    tpu.wait_dma2 semaphore(%arg30 : memref<!tpu.dma_semaphore, #tpu.memory_space<semaphore_mem>>) src(%arg10 : memref<16x768xf32, #tpu.memory_space<vmem>>) dst(%dma_wait3A_348 : memref<16x768xf32, #tpu.memory_space<hbm>>)
    %dma_wait3A_349 = arith.constant 0 : i32
    %dma_wait3A_350 = tpu.memref_slice %arg4[%add3A_308, %dma_wait3A_349] : memref<8192x768xf32, #tpu.memory_space<hbm>> -> memref<16x768xf32, #tpu.memory_space<hbm>>
    %dma_wait3A_351 = arith.constant 0 : i32
    %dma_wait3A_352 = tpu.memref_slice %arg4[%add3A_308, %dma_wait3A_351] : memref<8192x768xf32, #tpu.memory_space<hbm>> -> memref<16x768xf32, #tpu.memory_space<hbm>>
    tpu.wait_dma2 semaphore(%arg31 : memref<!tpu.dma_semaphore, #tpu.memory_space<semaphore_mem>>) src(%arg11 : memref<16x768xf32, #tpu.memory_space<vmem>>) dst(%dma_wait3A_352 : memref<16x768xf32, #tpu.memory_space<hbm>>)
    return
  }
}

</mosaic_0001>

<sc_bundles>
// kernel: kernel.3.cloned.1.call-start
scs
__scs_entry_jumppad:
0x0: {  	(pc) =	sbr.rel $0x88, $3  }
0x1: {  	(tag) =	ssettag $0x0;
	lr =	simm.s32 $0x1  }
0x2: {  	[smem:$0x3F9F] =	sst lr;
	_ =	strace $0xD0000000  }
0x3: {  	_ = 	snop  }
0x4: {  	_ = 	snop  }
0x5: {  	_ = 	snop  }
0x6: {  	_ = 	snop  }
0x7: {  	_ = 	snop  }
__scs_overlays_trampoline_lowered:
0x8: {  	[smem:$0x3FAE] =	sst s0  }
0x9: {  	[smem:$0x3FAF] =	sst s1  }
0xa: {  	[smem:$0x3FB0] =	sst s2  }
0xb: {  	[smem:$0x3FB1] =	sst s3  }
0xc: {  	[smem:$0x3FB2] =	sst s4  }
0xd: {  	[smem:$0x3FB3] =	sst s5  }
0xe: {  	[smem:$0x3FB4] =	sst s6  }
0xf: {  	[smem:$0x3FB5] =	sst s7  }
0x10: {  	[smem:$0x3FB6] =	sst s8  }
0x11: {  	[smem:$0x3FB7] =	sst s9;
	s0 =	simm.s32 @!p0 $0x0  }
0x12: {  	s1 =	sld [smem:$0x3F9D];
	s0 =	simm.s32 @p0 $0x1  }
0x13: {  	[smem:$0x3FB8] =	sst s0;
	s0 =	simm.s32 @!p1 $0x0  }
0x14: {  	s2 =	sld [smem:$0x3F9C];
	s0 =	simm.s32 @p1 $0x1  }
0x15: {  	[smem:$0x3FB9] =	sst s0;
	s0 =	simm.s32 @!p2 $0x0  }
0x16: {  	s3 =	sld [smem:$0x3FDB];
	s0 =	simm.s32 @p2 $0x1  }
0x17: {  	s4 =	simm.s32 $0x1BF5;
	[smem:$0x3FBB] =	sst s0  }
0x18: {  	s0 =	sld [smem:$0x3F9E];
	_ =	swait.ge [sflag:s4], $0x0  }
0x19: {  	s7 =	sld [smem:$0x3F9F]  }
0x1a: {  	s8 =	sadd.s32 $0xFFFFE003, lr  }
0x1b: {  	s9 =	sadd.s32 $0xFFFFFEF7, lr;
	s5 =	simm.s32 $0xFFFFFFFF;
	p2 =	slt.u32 s8, $0xFFFFF086  }
0x1c: {  	p1 =	slt.u32 s9, $0xF7A;
	s5 =	simm.s32 @!p2 $0x0  }
0x1d: {  	s5 =	simm.s32 @p1 $0x1;
	p0 =	seq.s32 s7, s2  }
0x1e: {  	s7 =	smul.u32 @!p0 $0xF7A, s2;
	p2 =	seq.s32 @!p0 s5, $0x0  }
0x1f: {  	s9 =	smul.u32 $0xF7A, s1;
	s8 =	simm.s32 @!p0 $0x1BF5;
	p2 =	por !p2, p0  }
0x20: {  	[sflag:s8] =	ssyncset.s32 @!p0 $0xFFFFF086;
	s6 =	sadd.s32 @!p0 s3, s7;
	s7 =	simm.s32 @!p0 $0x108  }
0x21: {  	s3 =	sadd.s32 s3, s9;
	s6 =	sadd.s32 @!p0 $0x88, s6;
	s7 =	simm.s32 @p2 $0x1082  }
0x22: {  	[simem:s7], [sflag:s8] =	dma.local @!p0 [hbm:s6], $0xF7A  }
0x23: {  	s9 =	sor.u32 $0xD0000000, s2;
	s6 =	simm.s32 $0x108;
	_ =	swait.ge @!p0 [sflag:s8], $0x0  }
0x24: {  	s3 =	sadd.s32 $0x88, s3;
	s6 =	simm.s32 @!p1 $0x1082;
	[sflag:s4] =	ssyncset.s32 $0xFFFFF086  }
0x25: {  	[simem:s6], [sflag:s4] =	dma.local [hbm:s3], $0xF7A  }
0x26: {  	[smem:$0x3F9F] =	sst s1;
	(tag) =	ssettag s2;
	_ =	strace s9  }
0x27: {  	s1 =	sld [smem:$0x3FAF]  }
0x28: {  	s2 =	sld [smem:$0x3FB0]  }
0x29: {  	s4 =	sld [smem:$0x3FB2]  }
0x2a: {  	p0 =	seq.s32 s5, $0x0;
	s5 =	sld [smem:$0x3FB3]  }
0x2b: {  	s6 =	sld [smem:$0x3FB4]  }
0x2c: {  	s7 =	sld [smem:$0x3FB5]  }
0x2d: {  	s3 =	simm.s32 $0x108;
	s8 =	sld [smem:$0x3FB6]  }
0x2e: {  	s3 =	simm.s32 @!p0 $0x1082;
	s9 =	sld [smem:$0x3FB7]  }
0x2f: {  	lr =	sadd.s32 s0, s3;
	s0 =	sld [smem:$0x3FAE]  }
0x30: {  	s3 =	sld [smem:$0x3FB1]  }
0x31: {  	[smem:$0x3FBA] =	sst s10  }
0x32: {  	s10 =	sld [smem:$0x3FB8];
	_ =	sdelay $0x3  }
0x33: {  	p0 =	seq.s32 s10, $0x1;
	s10 =	sld [smem:$0x3FBA];
	_ =	sdelay $0x3  }
0x34: {  	[smem:$0x3FBA] =	sst s10  }
0x35: {  	s10 =	sld [smem:$0x3FB9];
	_ =	sdelay $0x3  }
0x36: {  	p1 =	seq.s32 s10, $0x1;
	s10 =	sld [smem:$0x3FBA];
	_ =	sdelay $0x3  }
0x37: {  	[smem:$0x3FBA] =	sst s10  }
0x38: {  	s10 =	sld [smem:$0x3FBB]  }
0x39: {  	_ = 	snop;
	(pc) =	sbr.ind lr, $3  }
0x3a: {  	_ = 	snop  }
0x3b: {  	_ = 	snop  }
0x3c: {  	p2 =	seq.s32 s10, $0x1;
	s10 =	sld [smem:$0x3FBA]  }
0x3d: {  	_ =	shalt  }
0x3e: {  	_ =	shalt  }
0x3f: {  	_ =	shalt  }
0x40: {  	_ =	shalt  }
0x41: {  	_ =	shalt  }
0x42: {  	_ =	shalt  }
0x43: {  	_ =	shalt  }
0x44: {  	_ =	shalt  }
0x45: {  	_ =	shalt  }
0x46: {  	_ =	shalt  }
0x47: {  	_ =	shalt  }
0x48: {  	_ =	shalt  }
0x49: {  	_ =	shalt  }
0x4a: {  	_ =	shalt  }
0x4b: {  	_ =	shalt  }
0x4c: {  	_ =	shalt  }
0x4d: {  	_ =	shalt  }
0x4e: {  	_ =	shalt  }
0x4f: {  	_ =	shalt  }
0x50: {  	_ =	shalt  }
0x51: {  	_ =	shalt  }
0x52: {  	_ =	shalt  }
0x53: {  	_ =	shalt  }
0x54: {  	_ =	shalt  }
0x55: {  	_ =	shalt  }
0x56: {  	_ =	shalt  }
0x57: {  	_ =	shalt  }
0x58: {  	_ =	shalt  }
0x59: {  	_ =	shalt  }
0x5a: {  	_ =	shalt  }
0x5b: {  	_ =	shalt  }
0x5c: {  	_ =	shalt  }
0x5d: {  	_ =	shalt  }
0x5e: {  	_ =	shalt  }
0x5f: {  	_ =	shalt  }
0x60: {  	_ =	shalt  }
0x61: {  	_ =	shalt  }
0x62: {  	_ =	shalt  }
0x63: {  	_ =	shalt  }
0x64: {  	_ =	shalt  }
0x65: {  	_ =	shalt  }
0x66: {  	_ =	shalt  }
0x67: {  	_ =	shalt  }
0x68: {  	_ =	shalt  }
0x69: {  	_ =	shalt  }
0x6a: {  	_ =	shalt  }
0x6b: {  	_ =	shalt  }
0x6c: {  	_ =	shalt  }
0x6d: {  	_ =	shalt  }
0x6e: {  	_ =	shalt  }
0x6f: {  	_ =	shalt  }
0x70: {  	_ =	shalt  }
0x71: {  	_ =	shalt  }
0x72: {  	_ =	shalt  }
0x73: {  	_ =	shalt  }
0x74: {  	_ =	shalt  }
0x75: {  	_ =	shalt  }
0x76: {  	_ =	shalt  }
0x77: {  	_ =	shalt  }
0x78: {  	_ =	shalt  }
0x79: {  	_ =	shalt  }
0x7a: {  	_ =	shalt  }
0x7b: {  	_ =	shalt  }
0x7c: {  	_ =	shalt  }
0x7d: {  	_ =	shalt  }
0x7e: {  	_ =	shalt  }
0x7f: {  	_ =	shalt  }
0x80: {  	_ =	shalt  }
0x81: {  	_ =	shalt  }
0x82: {  	_ =	shalt  }
0x83: {  	_ =	shalt  }
0x84: {  	_ =	shalt  }
0x85: {  	_ =	shalt  }
0x86: {  	_ =	shalt  }
0x87: {  	_ =	shalt  }
.Lfunc_end0:
.L_simem_size_0:
called_computation_lowered:
.L_overlay_start_0:
0x88: {  	s2 =	sld [smem:$0x3FD9]  }
0x89: {  	s3 =	sld [smem:$0x3FFE];
	_ =	sdelay $0x1  }
0x8a: {  	s1 =	srdreg.scid  }
0x8b: {  	s0 =	sand.u32 $0x1, s1  }
0x8c: {  	s18 =	sshll.u32 s0, $0xA;
	s2 =	sadd.s32 s3, s2  }
0x8d: {  	s2 =	sadd.s32 s2, s18  }
0x8e: {  	[smem:$0x3FC6] =	sst s2  }
0x8f: {  	_ = 	snop  }
0x90: {  	s2 =	sld [smem:$0x3FC9]  }
0x91: {  	s19 =	sld [smem:$0x3FC8]  }
0x92: {  	s4 =	sld [smem:$0x3FD0];
	(tm) =	ssettm $0x1  }
0x93: {  	s5 =	sld [smem:$0x3FFB];
	_ =	sdelay $0x3  }
0x94: {  	_ =	strace s5  }
0x95: {  	s5 =	sld [smem:$0x3FFC];
	_ =	sdelay $0x3  }
0x96: {  	_ =	strace s5  }
0x97: {  	s5 =	sld [smem:$0x3FFD];
	_ =	sdelay $0x3  }
0x98: {  	_ =	strace s5  }
0x99: {  	_ =	strace $0x8FFFFFFF  }
0x9a: {  	s20 =	sld [smem:$0x3FDB];
	_ =	sdelay $0x1  }
0x9b: {  	s6 =	simm.s32 $_scs_section_size  }
0x9c: {  	s7 =	simm.s32 $_size__tile_overlayer_lowered;
	s8 =	simm.s32 $_tile_overlayer_lowered  }
0x9d: {  	s23 =	simm.s32 $0x1BFF;
	s22 =	sshll.u32 s8, $0x1;
	s5 =	sadd.s32 s6, s20  }
0x9e: {  	s9 =	simm.s32 $0x0;
	s21 =	sshll.u32 s7, $0x1;
	s7 =	sadd.s32 s22, s5  }
0x9f: {  	[timem:s9], [sflag:s23] =	dma.local [hbm:s7], s21  }
0xa0: {  	_ =	swait.ge [sflag:s23], s21  }
0xa1: {  	s6 =	ssub.s32 $0x0, s21;
	[sflag:s23] =	ssyncset.done $0x0  }
0xa2: {  	[sflag:s23] =	ssyncadd.s32 s6;
	_ =	sdelay $0x1  }
0xa3: {  	s24 =	simm.s32 $0x1B8B  }
0xa4: {  	_ =	swait.ge [sflag:s24], $0x1  }
0xa5: {  	[sflag:s24] =	ssyncset.done $0x0  }
0xa6: {  	s25 =	simm.s32 $0x1B8E;
	[sflag:s24] =	ssyncadd.s32 $0xFFFFFFFF  }
0xa7: {  	s26 =	simm.s32 $execute0_lowered;
	[smem:$0x3FD2] =	sst s25  }
0xa8: {  	s6 =	sshll.u32 s26, $0x1;
	_ =	strace $0x80000046;
	[dreg:$0x1] =	wrdreg $0xFFFFFFFF  }
0xa9: {  	s28 =	simm.s32 $_size_execute0_lowered;
	s5 =	sadd.s32 s5, s6;
	[dreg:$0x0] =	wrdreg $0x0  }
0xaa: {  	s6 =	sshll.u32 s28, $0x1;
	[dreg:$0x2] =	wrdreg s5  }
0xab: {  	[dreg:$0x3] =	wrdreg s6  }
0xac: {  	[dreg:$0x4] =	wrdreg $0xC0  }
0xad: {  	_ =	task [dreg:s9], $0x5FFFF  }
0xae: {  	[dreg:$0x1] =	wrdreg $0xFFFFFFFF  }
0xaf: {  	[dreg:$0x0] =	wrdreg $0x60  }
0xb0: {  	[dreg:$0x2] =	wrdreg s2  }
0xb1: {  	[dreg:$0x3] =	wrdreg s19  }
0xb2: {  	[dreg:$0x4] =	wrdreg s4  }
0xb3: {  	[dreg:$0x5] =	wrdreg $0x9  }
0xb4: {  	_ =	task.clear_ibuf [dreg:s9], $0x6FFFF;
	_ =	strace $0x90000046  }
0xb5: {  	s29 =	simm.s32 $0x9;
	_ =	strace $0x80000048  }
0xb6: {  	_ =	swait.ge [sflag:s29], $0x1  }
0xb7: {  	[sflag:s29] =	ssyncadd.s32 $0xFFFFFFFF  }
0xb8: {  	_ =	strace $0x90000048  }
0xb9: {  	_ =	sfence  }
0xba: {  	s30 =	sld [smem:$0x0];
	_ =	sdelay $0x2  }
0xbb: {  	s31 =	sshll.u32 s1, $0xD;
	s1 =	sshrl.u32 s1, $0x2  }
0xbc: {  	s3 =	sand.u32 $0x4000, s31;
	s1 =	sadd.s32 s1, s30  }
0xbd: {  	s0 =	sor.u32 s3, s0;
	s1 =	sshll.u32 s1, $0x11  }
0xbe: {  	s0 =	sor.u32 s1, s0  }
0xbf: {  	s0 =	sadd.s32 $0x8F2B, s0  }
0xc0: {  	[sflag:s0] =	ssyncadd.remote.s32 $0x1  }
0xc1: {  	_ =	sfence.sel $0xFFFF  }
0xc2: {  	[dreg:$0x0] =	wrdreg $0xFFFFFFFF;
	(pc) =	sbr.abs _section_cstart, $3  }
0xc3: {  	[dreg:$0x1] =	wrdreg $0xFFFFFFFF  }
0xc4: {  	_ =	task.clear_ibuf [dreg:s9], $0x2FFFF;
	_ =	strace $0x9FFFFFFF  }
0xc5: {  	(tm) =	ssettm $0x7FFFFFFF  }
tec
execute0_lowered:
.L_overlay_start_1:
0x0: {  	(tag) =	ssettag $0x1  }
0x1: {  	s0 =	rddreg [dreg:$0x0]  }
0x2: {  	s2 =	rddreg [dreg:$0x1]  }
0x3: {  	s1 =	rddreg [dreg:$0x2]  }
0x4: {  	s3 =	srdreg.scid;
	s6 =	stileid.u32  }
0x5: {  	s9 =	simm.s32 $0x13900;
	s4 =	sand.u32 $0x1, s3;
	s5 =	sshll.u32 s6, $0x1  }
0x6: {  	s3 =	simm.s32 $0x0;
	s6 =	sshll.u32 s6, $0x2;
	s5 =	sor.u32 s4, s5  }
0x7: {  	s6 =	sand.u32 $0x30, s6;
	[smem:$0x7FF] =	sst s3;
	s7 =	sshll.u32 s5, $0x7  }
0x8: {  	s8 =	smul.u32 $0x6000, s5;
	s0 =	sadd.s32 s0, s6;
	_ =	strace $0x80000047  }
0x9: {  	s6 =	simm.s32 $0x200;
	[dreg:$0x18] =	wrdreg s9;
	s7 =	sand.u32 $0x380, s7  }
0xa: {  	[dreg:$0x15] =	wrdreg s6;
	s0 =	sadd.s32 s7, s0  }
0xb: {  	s10 =	sadd.s32 s1, s8;
	[dreg:$0x4] =	wrdreg s0  }
0xc: {  	s7 =	simm.s32 $0x12900;
	[smem:$0x7F3] =	sst s10  }
0xd: {  	s8 =	simm.s32 $0x13100;
	[dreg:$0x16] =	wrdreg s7  }
0xe: {  	s11 =	sadd.s32 $0x600, s10;
	[dreg:$0x17] =	wrdreg s8  }
0xf: {  	s12 =	sadd.s32 $0xC00, s10;
	[dreg:$0x5] =	wrdreg s11  }
0x10: {  	s5 =	smul.u32 $0x30000, s5;
	s13 =	sadd.s32 $0x1200, s10;
	[dreg:$0x6] =	wrdreg s12  }
0x11: {  	s14 =	sadd.s32 $0x1800, s10;
	[dreg:$0x7] =	wrdreg s13  }
0x12: {  	s5 =	sshrl.u32 s5, $0x3;
	s15 =	sadd.s32 $0x1E00, s10;
	[dreg:$0x8] =	wrdreg s14  }
0x13: {  	s1 =	sadd.s32 s1, s5;
	s5 =	simm.s32 $0x80;
	[dreg:$0x9] =	wrdreg s15  }
0x14: {  	s10 =	simm.s32 $0x14100;
	[dreg:$0x14] =	wrdreg s5  }
0x15: {  	s16 =	sadd.s32 $0x2400, s1;
	[dreg:$0x19] =	wrdreg s10  }
0x16: {  	s17 =	sadd.s32 $0x2A00, s1;
	[dreg:$0xa] =	wrdreg s16  }
0x17: {  	s18 =	sadd.s32 $0x3000, s1;
	[dreg:$0xb] =	wrdreg s17  }
0x18: {  	s19 =	sadd.s32 $0x3600, s1;
	[dreg:$0xc] =	wrdreg s18  }
0x19: {  	s20 =	sadd.s32 $0x3C00, s1;
	[dreg:$0xd] =	wrdreg s19  }
0x1a: {  	s21 =	sadd.s32 $0x4200, s1;
	[dreg:$0xe] =	wrdreg s20  }
0x1b: {  	s22 =	sadd.s32 $0x4800, s1;
	[dreg:$0xf] =	wrdreg s21  }
0x1c: {  	s23 =	sadd.s32 $0x4E00, s1;
	[dreg:$0x10] =	wrdreg s22  }
0x1d: {  	s24 =	sadd.s32 $0x5400, s1;
	[dreg:$0x11] =	wrdreg s23  }
0x1e: {  	s25 =	sadd.s32 $0x5A00, s1;
	[dreg:$0x12] =	wrdreg s24  }
0x1f: {  	s11 =	simm.s32 $0x14900;
	[dreg:$0x13] =	wrdreg s25  }
0x20: {  	s12 =	simm.s32 $0x15900;
	[dreg:$0x1a] =	wrdreg s11  }
0x21: {  	s13 =	simm.s32 $0x16100;
	[dreg:$0x1b] =	wrdreg s12  }
0x22: {  	s4 =	ssub.s32 $0x2, s4;
	s14 =	simm.s32 $0x16900;
	[dreg:$0x1c] =	wrdreg s13  }
0x23: {  	s26 =	sshrl.u32 s4, $0x1;
	s15 =	simm.s32 $0x17100;
	[dreg:$0x1d] =	wrdreg s14  }
0x24: {  	s1 =	ssub.s32 s4, s26;
	s26 =	simm.s32 $0x1D900;
	[dreg:$0x1e] =	wrdreg s15  }
0x25: {  	s28 =	simm.s32 $0x4900;
	s16 =	simm.s32 $0x17900;
	[smem:$0x7FD] =	sst s26  }
0x26: {  	s29 =	simm.s32 $0x6100;
	s17 =	simm.s32 $0x18900;
	[dreg:$0x1f] =	wrdreg s16  }
0x27: {  	s30 =	simm.s32 $0x6900;
	s18 =	simm.s32 $0x19100;
	[smem:$0x7F4] =	sst s17  }
0x28: {  	s31 =	simm.s32 $0x7100;
	s19 =	simm.s32 $0x19900;
	[smem:$0x7F5] =	sst s18  }
0x29: {  	s6 =	sadd.s32 $0x200, s2;
	s20 =	simm.s32 $0x1A100;
	[smem:$0x7F6] =	sst s19  }
0x2a: {  	s5 =	sadd.s32 $0x100, s2;
	s21 =	simm.s32 $0x1A900;
	[smem:$0x7F7] =	sst s20  }
0x2b: {  	s7 =	smax.u32 s1, $0x1;
	s22 =	simm.s32 $0x1B900;
	[smem:$0x7F8] =	sst s21  }
0x2c: {  	s23 =	simm.s32 $0x1C100;
	s24 =	simm.s32 $0x1C900;
	[smem:$0x7F9] =	sst s22  }
0x2d: {  	s25 =	simm.s32 $0x1D100;
	s15 =	simm.s32 $0x100;
	[smem:$0x7FA] =	sst s23  }
0x2e: {  	v2 =	vlaneseq.u32;
	s26 =	simm.s32 $0x2900;
	s12 =	simm.s32 $0x9100;
	[smem:$0x7FB] =	sst s24  }
0x2f: {  	vm0 =	vmmov $0xffff;
	v1 =	vshrl.u32 v2, $0x3;
	s13 =	simm.s32 $0xC100;
	s14 =	simm.s32 $0xF100;
	[smem:$0x7FC] =	sst s25  }
0x30: {  	v0 =	vand.u32 $0x7, v2;
	v2 =	vor.u32 $0x8, v2;
	v1 =	vmul.u32 $0x8, v1;
	s19 =	simm.s32 $0x10;
	s21 =	simm.s32 $0x3100;
	s18 =	simm.s32 $0x1B100  }
.LBB2_1:
0x31: {  	s4 =	rddreg [dreg:$0x4]  }
0x32: {  	s20 =	rddreg [dreg:$0x14]  }
0x33: {  	s22 =	rddreg [dreg:$0x15];
	s17 =	simm.s32 $0x15  }
0x34: {  	[tilespmem:s3], [sflag:$0x15] =	stream.strided.gather [hbm4b:s4+s20], $0x100, s22, s20, $0x38;
	[tilespmem:$0x1E100] =	vst v63  }
0x35: {  	_ =	swait.ge [sflag:s17], $0x100  }
0x36: {  	[sflag:s17] =	ssyncset.done $0x0  }
0x37: {  	[sflag:s17] =	ssyncadd.s32 $0xFFFFFF00  }
0x38: {  	v3 =	vld [tilespmem:$0x0];
	_ =	sdelay $0x4  }
0x39: {  	v4 =	vshrl.u32 v3, $0x3  }
0x3a: {  	v4 =	vmul.u32 $0x30, v4  }
0x3b: {  	v3 =	vand.u32 $0x7, v3  }
0x3c: {  	v3 =	vor.u32 v3, v4  }
0x3d: {  	v4 =	vperm.xlane v3, v0;
	_ =	sdelay $0x1  }
0x3e: {  	v4 =	vadd.s32 v1, v4;
	_ =	sdelay $0x3  }
0x3f: {  	v3 =	vperm.xlane v3, v2  }
0x40: {  	[tilespmem:s15], [sflag:$0x1] =	stream.indirect_vreg.gather [hbm4b:s2+s3], $0x80, v4, vm0, $0xb8;
	[tilespmem:$0x1E100] =	vst v63  }
0x41: {  	s22 =	simm.s32 $0x900;
	v3 =	vadd.s32 v1, v3  }
0x42: {  	[tilespmem:s22], [sflag:$0x1] =	stream.indirect_vreg.gather [hbm4b:s5+s3], $0x80, v4, vm0, $0xb8;
	[tilespmem:$0x1E100] =	vst v63  }
0x43: {  	s23 =	simm.s32 $0x1100  }
0x44: {  	[tilespmem:s23], [sflag:$0x1] =	stream.indirect_vreg.gather [hbm4b:s6+s3], $0x80, v4, vm0, $0xb8;
	[tilespmem:$0x1E100] =	vst v63  }
0x45: {  	s24 =	simm.s32 $0x1900  }
0x46: {  	[tilespmem:s24], [sflag:$0x1] =	stream.indirect_vreg.gather [hbm4b:s2+s3], $0x80, v3, vm0, $0xb8;
	[tilespmem:$0x1E100] =	vst v63  }
0x47: {  	s25 =	simm.s32 $0x2100  }
0x48: {  	[tilespmem:s25], [sflag:$0x1] =	stream.indirect_vreg.gather [hbm4b:s5+s3], $0x80, v3, vm0, $0xb8;
	[tilespmem:$0x1E100] =	vst v63  }
0x49: {  	_ = 	snop  }
0x4a: {  	[tilespmem:s26], [sflag:$0x1] =	stream.indirect_vreg.gather [hbm4b:s6+s3], $0x80, v3, vm0, $0xb8;
	[tilespmem:$0x1E100] =	vst v63  }
0x4b: {  	v3 =	vld [tilespmem:$0x10];
	_ =	sdelay $0x4  }
0x4c: {  	v49 =	vshrl.u32 v3, $0x3  }
0x4d: {  	v4 =	vmul.u32 $0x30, v49  }
0x4e: {  	v3 =	vand.u32 $0x7, v3  }
0x4f: {  	v3 =	vor.u32 v3, v4  }
0x50: {  	v4 =	vperm.xlane v3, v0;
	_ =	sdelay $0x1  }
0x51: {  	v4 =	vadd.s32 v1, v4;
	_ =	sdelay $0x3  }
0x52: {  	v3 =	vperm.xlane v3, v2  }
0x53: {  	[tilespmem:s21], [sflag:$0x2] =	stream.indirect_vreg.gather [hbm4b:s2+s3], $0x80, v4, vm0, $0xb8;
	[tilespmem:$0x1E100] =	vst v63  }
0x54: {  	s8 =	simm.s32 $0x3900;
	v3 =	vadd.s32 v1, v3  }
0x55: {  	[tilespmem:s8], [sflag:$0x2] =	stream.indirect_vreg.gather [hbm4b:s5+s3], $0x80, v4, vm0, $0xb8;
	[tilespmem:$0x1E100] =	vst v63  }
0x56: {  	s9 =	simm.s32 $0x4100  }
0x57: {  	[tilespmem:s9], [sflag:$0x2] =	stream.indirect_vreg.gather [hbm4b:s6+s3], $0x80, v4, vm0, $0xb8;
	[tilespmem:$0x1E100] =	vst v63  }
0x58: {  	_ = 	snop  }
0x59: {  	[tilespmem:s28], [sflag:$0x2] =	stream.indirect_vreg.gather [hbm4b:s2+s3], $0x80, v3, vm0, $0xb8;
	[tilespmem:$0x1E100] =	vst v63  }
0x5a: {  	s10 =	simm.s32 $0x5100  }
0x5b: {  	[tilespmem:s10], [sflag:$0x2] =	stream.indirect_vreg.gather [hbm4b:s5+s3], $0x80, v3, vm0, $0xb8;
	[tilespmem:$0x1E100] =	vst v63  }
0x5c: {  	s17 =	simm.s32 $0x5900  }
0x5d: {  	[tilespmem:s17], [sflag:$0x2] =	stream.indirect_vreg.gather [hbm4b:s6+s3], $0x80, v3, vm0, $0xb8;
	[tilespmem:$0x1E100] =	vst v63  }
0x5e: {  	v3 =	vld [tilespmem:$0x20];
	_ =	sdelay $0x4  }
0x5f: {  	v50 =	vshrl.u32 v3, $0x3  }
0x60: {  	v4 =	vmul.u32 $0x30, v50  }
0x61: {  	v3 =	vand.u32 $0x7, v3  }
0x62: {  	v3 =	vor.u32 v3, v4  }
0x63: {  	v4 =	vperm.xlane v3, v0;
	_ =	sdelay $0x1  }
0x64: {  	v4 =	vadd.s32 v1, v4;
	_ =	sdelay $0x3  }
0x65: {  	v3 =	vperm.xlane v3, v2  }
0x66: {  	[tilespmem:s29], [sflag:$0x3] =	stream.indirect_vreg.gather [hbm4b:s2+s3], $0x80, v4, vm0, $0xb8;
	[tilespmem:$0x1E100] =	vst v63  }
0x67: {  	v3 =	vadd.s32 v1, v3  }
0x68: {  	[tilespmem:s30], [sflag:$0x3] =	stream.indirect_vreg.gather [hbm4b:s5+s3], $0x80, v4, vm0, $0xb8;
	[tilespmem:$0x1E100] =	vst v63  }
0x69: {  	_ = 	snop  }
0x6a: {  	[tilespmem:s31], [sflag:$0x3] =	stream.indirect_vreg.gather [hbm4b:s6+s3], $0x80, v4, vm0, $0xb8;
	[tilespmem:$0x1E100] =	vst v63  }
0x6b: {  	s0 =	simm.s32 $0x7900  }
0x6c: {  	[tilespmem:s0], [sflag:$0x3] =	stream.indirect_vreg.gather [hbm4b:s2+s3], $0x80, v3, vm0, $0xb8;
	[tilespmem:$0x1E100] =	vst v63  }
0x6d: {  	s1 =	simm.s32 $0x8100  }
0x6e: {  	[tilespmem:s1], [sflag:$0x3] =	stream.indirect_vreg.gather [hbm4b:s5+s3], $0x80, v3, vm0, $0xb8;
	[tilespmem:$0x1E100] =	vst v63  }
0x6f: {  	s11 =	simm.s32 $0x8900  }
0x70: {  	[tilespmem:s11], [sflag:$0x3] =	stream.indirect_vreg.gather [hbm4b:s6+s3], $0x80, v3, vm0, $0xb8;
	[tilespmem:$0x1E100] =	vst v63  }
0x71: {  	v3 =	vld [tilespmem:$0x30];
	_ =	sdelay $0x4  }
0x72: {  	v51 =	vshrl.u32 v3, $0x3  }
0x73: {  	v4 =	vmul.u32 $0x30, v51  }
0x74: {  	v3 =	vand.u32 $0x7, v3  }
0x75: {  	v3 =	vor.u32 v3, v4  }
0x76: {  	v4 =	vperm.xlane v3, v0;
	_ =	sdelay $0x1  }
0x77: {  	v4 =	vadd.s32 v1, v4;
	_ =	sdelay $0x3  }
0x78: {  	v3 =	vperm.xlane v3, v2  }
0x79: {  	[tilespmem:s12], [sflag:$0x4] =	stream.indirect_vreg.gather [hbm4b:s2+s3], $0x80, v4, vm0, $0xb8;
	[tilespmem:$0x1E100] =	vst v63  }
0x7a: {  	s20 =	simm.s32 $0x9900;
	v3 =	vadd.s32 v1, v3  }
0x7b: {  	[tilespmem:s20], [sflag:$0x4] =	stream.indirect_vreg.gather [hbm4b:s5+s3], $0x80, v4, vm0, $0xb8;
	[tilespmem:$0x1E100] =	vst v63  }
0x7c: {  	s4 =	simm.s32 $0xA100  }
0x7d: {  	[tilespmem:s4], [sflag:$0x4] =	stream.indirect_vreg.gather [hbm4b:s6+s3], $0x80, v4, vm0, $0xb8;
	[tilespmem:$0x1E100] =	vst v63  }
0x7e: {  	s16 =	simm.s32 $0xA900  }
0x7f: {  	[tilespmem:s16], [sflag:$0x4] =	stream.indirect_vreg.gather [hbm4b:s2+s3], $0x80, v3, vm0, $0xb8;
	[tilespmem:$0x1E100] =	vst v63  }
0x80: {  	s20 =	simm.s32 $0xB100  }
0x81: {  	[tilespmem:s20], [sflag:$0x4] =	stream.indirect_vreg.gather [hbm4b:s5+s3], $0x80, v3, vm0, $0xb8;
	[tilespmem:$0x1E100] =	vst v63  }
0x82: {  	s4 =	simm.s32 $0xB900  }
0x83: {  	[tilespmem:s4], [sflag:$0x4] =	stream.indirect_vreg.gather [hbm4b:s6+s3], $0x80, v3, vm0, $0xb8;
	[tilespmem:$0x1E100] =	vst v63  }
0x84: {  	v3 =	vld [tilespmem:$0x40];
	_ =	sdelay $0x4  }
0x85: {  	v52 =	vshrl.u32 v3, $0x3  }
0x86: {  	v4 =	vmul.u32 $0x30, v52  }
0x87: {  	v3 =	vand.u32 $0x7, v3  }
0x88: {  	v3 =	vor.u32 v3, v4  }
0x89: {  	v4 =	vperm.xlane v3, v0;
	_ =	sdelay $0x1  }
0x8a: {  	v4 =	vadd.s32 v1, v4;
	_ =	sdelay $0x3  }
0x8b: {  	v3 =	vperm.xlane v3, v2  }
0x8c: {  	[tilespmem:s13], [sflag:$0x5] =	stream.indirect_vreg.gather [hbm4b:s2+s3], $0x80, v4, vm0, $0xb8;
	[tilespmem:$0x1E100] =	vst v63  }
0x8d: {  	s16 =	simm.s32 $0xC900;
	v3 =	vadd.s32 v1, v3  }
0x8e: {  	[tilespmem:s16], [sflag:$0x5] =	stream.indirect_vreg.gather [hbm4b:s5+s3], $0x80, v4, vm0, $0xb8;
	[tilespmem:$0x1E100] =	vst v63  }
0x8f: {  	s20 =	simm.s32 $0xD100  }
0x90: {  	[tilespmem:s20], [sflag:$0x5] =	stream.indirect_vreg.gather [hbm4b:s6+s3], $0x80, v4, vm0, $0xb8;
	[tilespmem:$0x1E100] =	vst v63  }
0x91: {  	s4 =	simm.s32 $0xD900  }
0x92: {  	[tilespmem:s4], [sflag:$0x5] =	stream.indirect_vreg.gather [hbm4b:s2+s3], $0x80, v3, vm0, $0xb8;
	[tilespmem:$0x1E100] =	vst v63  }
0x93: {  	s16 =	simm.s32 $0xE100  }
0x94: {  	[tilespmem:s16], [sflag:$0x5] =	stream.indirect_vreg.gather [hbm4b:s5+s3], $0x80, v3, vm0, $0xb8;
	[tilespmem:$0x1E100] =	vst v63  }
0x95: {  	s20 =	simm.s32 $0xE900  }
0x96: {  	[tilespmem:s20], [sflag:$0x5] =	stream.indirect_vreg.gather [hbm4b:s6+s3], $0x80, v3, vm0, $0xb8;
	[tilespmem:$0x1E100] =	vst v63  }
0x97: {  	v3 =	vld [tilespmem:$0x50];
	_ =	sdelay $0x4  }
0x98: {  	v53 =	vshrl.u32 v3, $0x3  }
0x99: {  	v4 =	vmul.u32 $0x30, v53  }
0x9a: {  	v3 =	vand.u32 $0x7, v3  }
0x9b: {  	v3 =	vor.u32 v3, v4  }
0x9c: {  	v4 =	vperm.xlane v3, v0;
	_ =	sdelay $0x1  }
0x9d: {  	v4 =	vadd.s32 v1, v4;
	_ =	sdelay $0x3  }
0x9e: {  	v3 =	vperm.xlane v3, v2  }
0x9f: {  	[tilespmem:s14], [sflag:$0x6] =	stream.indirect_vreg.gather [hbm4b:s2+s3], $0x80, v4, vm0, $0xb8;
	[tilespmem:$0x1E100] =	vst v63  }
0xa0: {  	s4 =	simm.s32 $0xF900;
	v3 =	vadd.s32 v1, v3  }
0xa1: {  	[tilespmem:s4], [sflag:$0x6] =	stream.indirect_vreg.gather [hbm4b:s5+s3], $0x80, v4, vm0, $0xb8;
	[tilespmem:$0x1E100] =	vst v63  }
0xa2: {  	s16 =	simm.s32 $0x10100  }
0xa3: {  	[tilespmem:s16], [sflag:$0x6] =	stream.indirect_vreg.gather [hbm4b:s6+s3], $0x80, v4, vm0, $0xb8;
	[tilespmem:$0x1E100] =	vst v63  }
0xa4: {  	s20 =	simm.s32 $0x10900  }
0xa5: {  	[tilespmem:s20], [sflag:$0x6] =	stream.indirect_vreg.gather [hbm4b:s2+s3], $0x80, v3, vm0, $0xb8;
	[tilespmem:$0x1E100] =	vst v63  }
0xa6: {  	s4 =	simm.s32 $0x11100  }
0xa7: {  	[tilespmem:s4], [sflag:$0x6] =	stream.indirect_vreg.gather [hbm4b:s5+s3], $0x80, v3, vm0, $0xb8;
	[tilespmem:$0x1E100] =	vst v63  }
0xa8: {  	s16 =	simm.s32 $0x11900  }
0xa9: {  	[tilespmem:s16], [sflag:$0x6] =	stream.indirect_vreg.gather [hbm4b:s6+s3], $0x80, v3, vm0, $0xb8;
	[tilespmem:$0x1E100] =	vst v63  }
0xaa: {  	v3 =	vld [tilespmem:$0x60];
	_ =	sdelay $0x4  }
0xab: {  	v54 =	vshrl.u32 v3, $0x3  }
0xac: {  	v4 =	vmul.u32 $0x30, v54  }
0xad: {  	v3 =	vand.u32 $0x7, v3  }
0xae: {  	v3 =	vor.u32 v3, v4  }
0xaf: {  	v4 =	vperm.xlane v3, v0;
	_ =	sdelay $0x1  }
0xb0: {  	v4 =	vadd.s32 v1, v4;
	_ =	sdelay $0x3  }
0xb1: {  	s20 =	simm.s32 $0x12100;
	v3 =	vperm.xlane v3, v2  }
0xb2: {  	[tilespmem:s20], [sflag:$0x7] =	stream.indirect_vreg.gather [hbm4b:s2+s3], $0x80, v4, vm0, $0xb8;
	[tilespmem:$0x1E100] =	vst v63  }
0xb3: {  	s4 =	rddreg [dreg:$0x16];
	v3 =	vadd.s32 v1, v3  }
0xb4: {  	[tilespmem:s4], [sflag:$0x7] =	stream.indirect_vreg.gather [hbm4b:s5+s3], $0x80, v4, vm0, $0xb8;
	[tilespmem:$0x1E100] =	vst v63  }
0xb5: {  	s16 =	rddreg [dreg:$0x17]  }
0xb6: {  	[tilespmem:s16], [sflag:$0x7] =	stream.indirect_vreg.gather [hbm4b:s6+s3], $0x80, v4, vm0, $0xb8;
	[tilespmem:$0x1E100] =	vst v63  }
0xb7: {  	s0 =	rddreg [dreg:$0x18]  }
0xb8: {  	[tilespmem:s0], [sflag:$0x7] =	stream.indirect_vreg.gather [hbm4b:s2+s3], $0x80, v3, vm0, $0xb8;
	[tilespmem:$0x1E100] =	vst v63  }
0xb9: {  	s16 =	rddreg [dreg:$0x19]  }
0xba: {  	[tilespmem:s16], [sflag:$0x7] =	stream.indirect_vreg.gather [hbm4b:s5+s3], $0x80, v3, vm0, $0xb8;
	[tilespmem:$0x1E100] =	vst v63  }
0xbb: {  	s0 =	rddreg [dreg:$0x1a]  }
0xbc: {  	[tilespmem:s0], [sflag:$0x7] =	stream.indirect_vreg.gather [hbm4b:s6+s3], $0x80, v3, vm0, $0xb8;
	[tilespmem:$0x1E100] =	vst v63  }
0xbd: {  	v3 =	vld [tilespmem:$0x70];
	_ =	sdelay $0x4  }
0xbe: {  	v55 =	vshrl.u32 v3, $0x3  }
0xbf: {  	v4 =	vmul.u32 $0x30, v55  }
0xc0: {  	v3 =	vand.u32 $0x7, v3  }
0xc1: {  	v3 =	vor.u32 v3, v4  }
0xc2: {  	v4 =	vperm.xlane v3, v0;
	_ =	sdelay $0x1  }
0xc3: {  	v4 =	vadd.s32 v1, v4;
	_ =	sdelay $0x3  }
0xc4: {  	s20 =	simm.s32 $0x15100;
	v3 =	vperm.xlane v3, v2  }
0xc5: {  	[tilespmem:s20], [sflag:$0x8] =	stream.indirect_vreg.gather [hbm4b:s2+s3], $0x80, v4, vm0, $0xb8;
	[tilespmem:$0x1E100] =	vst v63  }
0xc6: {  	s16 =	rddreg [dreg:$0x1b];
	v3 =	vadd.s32 v1, v3  }
0xc7: {  	[tilespmem:s16], [sflag:$0x8] =	stream.indirect_vreg.gather [hbm4b:s5+s3], $0x80, v4, vm0, $0xb8;
	[tilespmem:$0x1E100] =	vst v63  }
0xc8: {  	s0 =	rddreg [dreg:$0x1c]  }
0xc9: {  	[tilespmem:s0], [sflag:$0x8] =	stream.indirect_vreg.gather [hbm4b:s6+s3], $0x80, v4, vm0, $0xb8;
	[tilespmem:$0x1E100] =	vst v63  }
0xca: {  	s16 =	rddreg [dreg:$0x1d]  }
0xcb: {  	[tilespmem:s16], [sflag:$0x8] =	stream.indirect_vreg.gather [hbm4b:s2+s3], $0x80, v3, vm0, $0xb8;
	[tilespmem:$0x1E100] =	vst v63  }
0xcc: {  	s0 =	rddreg [dreg:$0x1e]  }
0xcd: {  	[tilespmem:s0], [sflag:$0x8] =	stream.indirect_vreg.gather [hbm4b:s5+s3], $0x80, v3, vm0, $0xb8;
	[tilespmem:$0x1E100] =	vst v63  }
0xce: {  	s16 =	rddreg [dreg:$0x1f]  }
0xcf: {  	[tilespmem:s16], [sflag:$0x8] =	stream.indirect_vreg.gather [hbm4b:s6+s3], $0x80, v3, vm0, $0xb8;
	[tilespmem:$0x1E100] =	vst v63  }
0xd0: {  	v3 =	vld [tilespmem:$0x80];
	_ =	sdelay $0x4  }
0xd1: {  	v56 =	vshrl.u32 v3, $0x3  }
0xd2: {  	v4 =	vmul.u32 $0x30, v56  }
0xd3: {  	v3 =	vand.u32 $0x7, v3  }
0xd4: {  	v3 =	vor.u32 v3, v4  }
0xd5: {  	v4 =	vperm.xlane v3, v0;
	_ =	sdelay $0x1  }
0xd6: {  	v4 =	vadd.s32 v1, v4;
	_ =	sdelay $0x3  }
0xd7: {  	s0 =	sld [smem:$0x7F4];
	s16 =	simm.s32 $0x18100;
	v3 =	vperm.xlane v3, v2  }
0xd8: {  	[tilespmem:s16], [sflag:$0x9] =	stream.indirect_vreg.gather [hbm4b:s2+s3], $0x80, v4, vm0, $0xb8;
	[tilespmem:$0x1E100] =	vst v63  }
0xd9: {  	s20 =	sld [smem:$0x7F5];
	v3 =	vadd.s32 v1, v3  }
0xda: {  	[tilespmem:s0], [sflag:$0x9] =	stream.indirect_vreg.gather [hbm4b:s5+s3], $0x80, v4, vm0, $0xb8;
	[tilespmem:$0x1E100] =	vst v63  }
0xdb: {  	s0 =	sld [smem:$0x7F6]  }
0xdc: {  	[tilespmem:s20], [sflag:$0x9] =	stream.indirect_vreg.gather [hbm4b:s6+s3], $0x80, v4, vm0, $0xb8;
	[tilespmem:$0x1E100] =	vst v63  }
0xdd: {  	s20 =	sld [smem:$0x7F7]  }
0xde: {  	[tilespmem:s0], [sflag:$0x9] =	stream.indirect_vreg.gather [hbm4b:s2+s3], $0x80, v3, vm0, $0xb8;
	[tilespmem:$0x1E100] =	vst v63  }
0xdf: {  	s0 =	sld [smem:$0x7F8]  }
0xe0: {  	[tilespmem:s20], [sflag:$0x9] =	stream.indirect_vreg.gather [hbm4b:s5+s3], $0x80, v3, vm0, $0xb8;
	[tilespmem:$0x1E100] =	vst v63  }
0xe1: {  	_ = 	snop  }
0xe2: {  	[tilespmem:s0], [sflag:$0x9] =	stream.indirect_vreg.gather [hbm4b:s6+s3], $0x80, v3, vm0, $0xb8;
	[tilespmem:$0x1E100] =	vst v63  }
0xe3: {  	v3 =	vld [tilespmem:$0x90];
	_ =	sdelay $0x4  }
0xe4: {  	v57 =	vshrl.u32 v3, $0x3  }
0xe5: {  	v4 =	vmul.u32 $0x30, v57  }
0xe6: {  	v3 =	vand.u32 $0x7, v3  }
0xe7: {  	v3 =	vor.u32 v3, v4  }
0xe8: {  	v4 =	vperm.xlane v3, v0;
	_ =	sdelay $0x1  }
0xe9: {  	v4 =	vadd.s32 v1, v4;
	_ =	sdelay $0x3  }
0xea: {  	s0 =	sld [smem:$0x7F9];
	v3 =	vperm.xlane v3, v2  }
0xeb: {  	[tilespmem:s18], [sflag:$0xA] =	stream.indirect_vreg.gather [hbm4b:s2+s3], $0x80, v4, vm0, $0xb8;
	[tilespmem:$0x1E100] =	vst v63  }
0xec: {  	s20 =	sld [smem:$0x7FA];
	v3 =	vadd.s32 v1, v3  }
0xed: {  	[tilespmem:s0], [sflag:$0xA] =	stream.indirect_vreg.gather [hbm4b:s5+s3], $0x80, v4, vm0, $0xb8;
	[tilespmem:$0x1E100] =	vst v63  }
0xee: {  	s0 =	sld [smem:$0x7FB]  }
0xef: {  	[tilespmem:s20], [sflag:$0xA] =	stream.indirect_vreg.gather [hbm4b:s6+s3], $0x80, v4, vm0, $0xb8;
	[tilespmem:$0x1E100] =	vst v63  }
0xf0: {  	s20 =	sld [smem:$0x7FC]  }
0xf1: {  	[tilespmem:s0], [sflag:$0xA] =	stream.indirect_vreg.gather [hbm4b:s2+s3], $0x80, v3, vm0, $0xb8;
	[tilespmem:$0x1E100] =	vst v63  }
0xf2: {  	s0 =	sld [smem:$0x7FD]  }
0xf3: {  	[tilespmem:s20], [sflag:$0xA] =	stream.indirect_vreg.gather [hbm4b:s5+s3], $0x80, v3, vm0, $0xb8;
	[tilespmem:$0x1E100] =	vst v63  }
0xf4: {  	s20 =	simm.s32 $0x1  }
0xf5: {  	[tilespmem:s0], [sflag:$0xA] =	stream.indirect_vreg.gather [hbm4b:s6+s3], $0x80, v3, vm0, $0xb8;
	[tilespmem:$0x1E100] =	vst v63  }
0xf6: {  	_ =	swait.ge [sflag:s20], $0x3000  }
0xf7: {  	s0 =	sld [smem:$0x7F3]  }
0xf8: {  	[sflag:s20] =	ssyncset.done $0x0  }
0xf9: {  	[sflag:s20] =	ssyncadd.s32 $0xFFFFD000  }
0xfa: {  	[hbm4b:s0+s3] =	stream.linear.scatter [tilespmem:s15], [sflag:$0xB], $0x3000, $0x38;
	[tilespmem:$0x1E100] =	vst v63  }
0xfb: {  	s0 =	simm.s32 $0xB  }
0xfc: {  	_ =	swait.ge [sflag:s0], $0x3000  }
0xfd: {  	[sflag:s0] =	ssyncset.done $0x0  }
0xfe: {  	[sflag:s0] =	ssyncadd.s32 $0xFFFFD000  }
0xff: {  	v3 =	vld [tilespmem:$0xA0];
	_ =	sdelay $0x4  }
0x100: {  	v58 =	vshrl.u32 v3, $0x3  }
0x101: {  	v4 =	vmul.u32 $0x30, v58  }
0x102: {  	v3 =	vand.u32 $0x7, v3  }
0x103: {  	v3 =	vor.u32 v3, v4  }
0x104: {  	v4 =	vperm.xlane v3, v0;
	_ =	sdelay $0x1  }
0x105: {  	v4 =	vadd.s32 v1, v4;
	_ =	sdelay $0x3  }
0x106: {  	v3 =	vperm.xlane v3, v2  }
0x107: {  	[tilespmem:s15], [sflag:$0x1] =	stream.indirect_vreg.gather [hbm4b:s2+s3], $0x80, v4, vm0, $0xb8;
	[tilespmem:$0x1E100] =	vst v63  }
0x108: {  	v3 =	vadd.s32 v1, v3  }
0x109: {  	[tilespmem:s22], [sflag:$0x1] =	stream.indirect_vreg.gather [hbm4b:s5+s3], $0x80, v4, vm0, $0xb8;
	[tilespmem:$0x1E100] =	vst v63  }
0x10a: {  	_ = 	snop  }
0x10b: {  	[tilespmem:s23], [sflag:$0x1] =	stream.indirect_vreg.gather [hbm4b:s6+s3], $0x80, v4, vm0, $0xb8;
	[tilespmem:$0x1E100] =	vst v63  }
0x10c: {  	_ = 	snop  }
0x10d: {  	[tilespmem:s24], [sflag:$0x1] =	stream.indirect_vreg.gather [hbm4b:s2+s3], $0x80, v3, vm0, $0xb8;
	[tilespmem:$0x1E100] =	vst v63  }
0x10e: {  	_ = 	snop  }
0x10f: {  	[tilespmem:s25], [sflag:$0x1] =	stream.indirect_vreg.gather [hbm4b:s5+s3], $0x80, v3, vm0, $0xb8;
	[tilespmem:$0x1E100] =	vst v63  }
0x110: {  	s22 =	simm.s32 $0x2  }
0x111: {  	[tilespmem:s26], [sflag:$0x1] =	stream.indirect_vreg.gather [hbm4b:s6+s3], $0x80, v3, vm0, $0xb8;
	[tilespmem:$0x1E100] =	vst v63  }
0x112: {  	_ =	swait.ge [sflag:s22], $0x3000  }
0x113: {  	[sflag:s22] =	ssyncset.done $0x0  }
0x114: {  	s23 =	rddreg [dreg:$0x5];
	[sflag:s22] =	ssyncadd.s32 $0xFFFFD000  }
0x115: {  	[hbm4b:s23+s3] =	stream.linear.scatter [tilespmem:s21], [sflag:$0xC], $0x3000, $0x38;
	[tilespmem:$0x1E100] =	vst v63  }
0x116: {  	s23 =	simm.s32 $0xC  }
0x117: {  	_ =	swait.ge [sflag:s23], $0x3000  }
0x118: {  	[sflag:s23] =	ssyncset.done $0x0  }
0x119: {  	[sflag:s23] =	ssyncadd.s32 $0xFFFFD000  }
0x11a: {  	v3 =	vld [tilespmem:$0xB0];
	_ =	sdelay $0x4  }
0x11b: {  	v59 =	vshrl.u32 v3, $0x3  }
0x11c: {  	v4 =	vmul.u32 $0x30, v59  }
0x11d: {  	v3 =	vand.u32 $0x7, v3  }
0x11e: {  	v3 =	vor.u32 v3, v4  }
0x11f: {  	v4 =	vperm.xlane v3, v0;
	_ =	sdelay $0x1  }
0x120: {  	v4 =	vadd.s32 v1, v4;
	_ =	sdelay $0x3  }
0x121: {  	v3 =	vperm.xlane v3, v2  }
0x122: {  	[tilespmem:s21], [sflag:$0x2] =	stream.indirect_vreg.gather [hbm4b:s2+s3], $0x80, v4, vm0, $0xb8;
	[tilespmem:$0x1E100] =	vst v63  }
0x123: {  	v3 =	vadd.s32 v1, v3  }
0x124: {  	[tilespmem:s8], [sflag:$0x2] =	stream.indirect_vreg.gather [hbm4b:s5+s3], $0x80, v4, vm0, $0xb8;
	[tilespmem:$0x1E100] =	vst v63  }
0x125: {  	_ = 	snop  }
0x126: {  	[tilespmem:s9], [sflag:$0x2] =	stream.indirect_vreg.gather [hbm4b:s6+s3], $0x80, v4, vm0, $0xb8;
	[tilespmem:$0x1E100] =	vst v63  }
0x127: {  	_ = 	snop  }
0x128: {  	[tilespmem:s28], [sflag:$0x2] =	stream.indirect_vreg.gather [hbm4b:s2+s3], $0x80, v3, vm0, $0xb8;
	[tilespmem:$0x1E100] =	vst v63  }
0x129: {  	_ = 	snop  }
0x12a: {  	[tilespmem:s10], [sflag:$0x2] =	stream.indirect_vreg.gather [hbm4b:s5+s3], $0x80, v3, vm0, $0xb8;
	[tilespmem:$0x1E100] =	vst v63  }
0x12b: {  	s8 =	simm.s32 $0x3  }
0x12c: {  	[tilespmem:s17], [sflag:$0x2] =	stream.indirect_vreg.gather [hbm4b:s6+s3], $0x80, v3, vm0, $0xb8;
	[tilespmem:$0x1E100] =	vst v63  }
0x12d: {  	_ =	swait.ge [sflag:s8], $0x3000  }
0x12e: {  	[sflag:s8] =	ssyncset.done $0x0  }
0x12f: {  	s9 =	simm.s32 $0xD;
	s24 =	rddreg [dreg:$0x6];
	[sflag:s8] =	ssyncadd.s32 $0xFFFFD000  }
0x130: {  	[hbm4b:s24+s3] =	stream.linear.scatter [tilespmem:s29], [sflag:$0xD], $0x3000, $0x38;
	[tilespmem:$0x1E100] =	vst v63  }
0x131: {  	_ =	swait.ge [sflag:s9], $0x3000  }
0x132: {  	[sflag:s9] =	ssyncset.done $0x0  }
0x133: {  	[sflag:s9] =	ssyncadd.s32 $0xFFFFD000  }
0x134: {  	v3 =	vld [tilespmem:$0xC0];
	_ =	sdelay $0x4  }
0x135: {  	v60 =	vshrl.u32 v3, $0x3  }
0x136: {  	v4 =	vmul.u32 $0x30, v60  }
0x137: {  	v3 =	vand.u32 $0x7, v3  }
0x138: {  	v3 =	vor.u32 v3, v4  }
0x139: {  	v4 =	vperm.xlane v3, v0;
	_ =	sdelay $0x1  }
0x13a: {  	v4 =	vadd.s32 v1, v4;
	_ =	sdelay $0x3  }
0x13b: {  	v3 =	vperm.xlane v3, v2  }
0x13c: {  	[tilespmem:s29], [sflag:$0x3] =	stream.indirect_vreg.gather [hbm4b:s2+s3], $0x80, v4, vm0, $0xb8;
	[tilespmem:$0x1E100] =	vst v63  }
0x13d: {  	v3 =	vadd.s32 v1, v3  }
0x13e: {  	[tilespmem:s30], [sflag:$0x3] =	stream.indirect_vreg.gather [hbm4b:s5+s3], $0x80, v4, vm0, $0xb8;
	[tilespmem:$0x1E100] =	vst v63  }
0x13f: {  	_ = 	snop  }
0x140: {  	[tilespmem:s31], [sflag:$0x3] =	stream.indirect_vreg.gather [hbm4b:s6+s3], $0x80, v4, vm0, $0xb8;
	[tilespmem:$0x1E100] =	vst v63  }
0x141: {  	s25 =	simm.s32 $0x7900  }
0x142: {  	[tilespmem:s25], [sflag:$0x3] =	stream.indirect_vreg.gather [hbm4b:s2+s3], $0x80, v3, vm0, $0xb8;
	[tilespmem:$0x1E100] =	vst v63  }
0x143: {  	_ = 	snop  }
0x144: {  	[tilespmem:s1], [sflag:$0x3] =	stream.indirect_vreg.gather [hbm4b:s5+s3], $0x80, v3, vm0, $0xb8;
	[tilespmem:$0x1E100] =	vst v63  }
0x145: {  	s1 =	simm.s32 $0x4  }
0x146: {  	[tilespmem:s11], [sflag:$0x3] =	stream.indirect_vreg.gather [hbm4b:s6+s3], $0x80, v3, vm0, $0xb8;
	[tilespmem:$0x1E100] =	vst v63  }
0x147: {  	_ =	swait.ge [sflag:s1], $0x3000  }
0x148: {  	[sflag:s1] =	ssyncset.done $0x0  }
0x149: {  	s10 =	rddreg [dreg:$0x7];
	[sflag:s1] =	ssyncadd.s32 $0xFFFFD000  }
0x14a: {  	[hbm4b:s10+s3] =	stream.linear.scatter [tilespmem:s12], [sflag:$0xE], $0x3000, $0x38;
	[tilespmem:$0x1E100] =	vst v63  }
0x14b: {  	s10 =	simm.s32 $0xE  }
0x14c: {  	_ =	swait.ge [sflag:s10], $0x3000  }
0x14d: {  	[sflag:s10] =	ssyncset.done $0x0  }
0x14e: {  	[sflag:s10] =	ssyncadd.s32 $0xFFFFD000  }
0x14f: {  	v3 =	vld [tilespmem:$0xD0];
	_ =	sdelay $0x4  }
0x150: {  	v61 =	vshrl.u32 v3, $0x3  }
0x151: {  	v4 =	vmul.u32 $0x30, v61  }
0x152: {  	v3 =	vand.u32 $0x7, v3  }
0x153: {  	v3 =	vor.u32 v3, v4  }
0x154: {  	v4 =	vperm.xlane v3, v0;
	_ =	sdelay $0x1  }
0x155: {  	v4 =	vadd.s32 v1, v4;
	_ =	sdelay $0x3  }
0x156: {  	v3 =	vperm.xlane v3, v2  }
0x157: {  	[tilespmem:s12], [sflag:$0x4] =	stream.indirect_vreg.gather [hbm4b:s2+s3], $0x80, v4, vm0, $0xb8;
	[tilespmem:$0x1E100] =	vst v63  }
0x158: {  	s11 =	simm.s32 $0x9900;
	v3 =	vadd.s32 v1, v3  }
0x159: {  	[tilespmem:s11], [sflag:$0x4] =	stream.indirect_vreg.gather [hbm4b:s5+s3], $0x80, v4, vm0, $0xb8;
	[tilespmem:$0x1E100] =	vst v63  }
0x15a: {  	s17 =	simm.s32 $0xA100  }
0x15b: {  	[tilespmem:s17], [sflag:$0x4] =	stream.indirect_vreg.gather [hbm4b:s6+s3], $0x80, v4, vm0, $0xb8;
	[tilespmem:$0x1E100] =	vst v63  }
0x15c: {  	s24 =	simm.s32 $0xA900  }
0x15d: {  	[tilespmem:s24], [sflag:$0x4] =	stream.indirect_vreg.gather [hbm4b:s2+s3], $0x80, v3, vm0, $0xb8;
	[tilespmem:$0x1E100] =	vst v63  }
0x15e: {  	s25 =	simm.s32 $0xB100  }
0x15f: {  	[tilespmem:s25], [sflag:$0x4] =	stream.indirect_vreg.gather [hbm4b:s5+s3], $0x80, v3, vm0, $0xb8;
	[tilespmem:$0x1E100] =	vst v63  }
0x160: {  	s11 =	simm.s32 $0xB900  }
0x161: {  	[tilespmem:s11], [sflag:$0x4] =	stream.indirect_vreg.gather [hbm4b:s6+s3], $0x80, v3, vm0, $0xb8;
	[tilespmem:$0x1E100] =	vst v63  }
0x162: {  	s11 =	simm.s32 $0x5  }
0x163: {  	_ =	swait.ge [sflag:s11], $0x3000  }
0x164: {  	[sflag:s11] =	ssyncset.done $0x0  }
0x165: {  	s17 =	rddreg [dreg:$0x8];
	[sflag:s11] =	ssyncadd.s32 $0xFFFFD000  }
0x166: {  	[hbm4b:s17+s3] =	stream.linear.scatter [tilespmem:s13], [sflag:$0xF], $0x3000, $0x38;
	[tilespmem:$0x1E100] =	vst v63  }
0x167: {  	s17 =	simm.s32 $0xF  }
0x168: {  	_ =	swait.ge [sflag:s17], $0x3000  }
0x169: {  	[sflag:s17] =	ssyncset.done $0x0  }
0x16a: {  	[sflag:s17] =	ssyncadd.s32 $0xFFFFD000  }
0x16b: {  	v3 =	vld [tilespmem:$0xE0];
	_ =	sdelay $0x4  }
0x16c: {  	v62 =	vshrl.u32 v3, $0x3  }
0x16d: {  	v4 =	vmul.u32 $0x30, v62  }
0x16e: {  	v3 =	vand.u32 $0x7, v3  }
0x16f: {  	v3 =	vor.u32 v3, v4  }
0x170: {  	v4 =	vperm.xlane v3, v0;
	_ =	sdelay $0x1  }
0x171: {  	v4 =	vadd.s32 v1, v4;
	_ =	sdelay $0x3  }
0x172: {  	v3 =	vperm.xlane v3, v2  }
0x173: {  	[tilespmem:s13], [sflag:$0x5] =	stream.indirect_vreg.gather [hbm4b:s2+s3], $0x80, v4, vm0, $0xb8;
	[tilespmem:$0x1E100] =	vst v63  }
0x174: {  	s24 =	simm.s32 $0xC900;
	v3 =	vadd.s32 v1, v3  }
0x175: {  	[tilespmem:s24], [sflag:$0x5] =	stream.indirect_vreg.gather [hbm4b:s5+s3], $0x80, v4, vm0, $0xb8;
	[tilespmem:$0x1E100] =	vst v63  }
0x176: {  	s25 =	simm.s32 $0xD100  }
0x177: {  	[tilespmem:s25], [sflag:$0x5] =	stream.indirect_vreg.gather [hbm4b:s6+s3], $0x80, v4, vm0, $0xb8;
	[tilespmem:$0x1E100] =	vst v63  }
0x178: {  	s24 =	simm.s32 $0xD900  }
0x179: {  	[tilespmem:s24], [sflag:$0x5] =	stream.indirect_vreg.gather [hbm4b:s2+s3], $0x80, v3, vm0, $0xb8;
	[tilespmem:$0x1E100] =	vst v63  }
0x17a: {  	s25 =	simm.s32 $0xE100  }
0x17b: {  	[tilespmem:s25], [sflag:$0x5] =	stream.indirect_vreg.gather [hbm4b:s5+s3], $0x80, v3, vm0, $0xb8;
	[tilespmem:$0x1E100] =	vst v63  }
0x17c: {  	s24 =	simm.s32 $0xE900  }
0x17d: {  	[tilespmem:s24], [sflag:$0x5] =	stream.indirect_vreg.gather [hbm4b:s6+s3], $0x80, v3, vm0, $0xb8;
	[tilespmem:$0x1E100] =	vst v63  }
0x17e: {  	s24 =	simm.s32 $0x6  }
0x17f: {  	_ =	swait.ge [sflag:s24], $0x3000  }
0x180: {  	[sflag:s24] =	ssyncset.done $0x0  }
0x181: {  	s25 =	rddreg [dreg:$0x9];
	[sflag:s24] =	ssyncadd.s32 $0xFFFFD000  }
0x182: {  	[hbm4b:s25+s3] =	stream.linear.scatter [tilespmem:s14], [sflag:$0x10], $0x3000, $0x38;
	[tilespmem:$0x1E100] =	vst v63  }
0x183: {  	_ =	swait.ge [sflag:s19], $0x3000  }
0x184: {  	[sflag:s19] =	ssyncset.done $0x0  }
0x185: {  	[sflag:s19] =	ssyncadd.s32 $0xFFFFD000  }
0x186: {  	v3 =	vld [tilespmem:$0xF0];
	_ =	sdelay $0x4  }
0x187: {  	v63 =	vshrl.u32 v3, $0x3  }
0x188: {  	v4 =	vmul.u32 $0x30, v63  }
0x189: {  	v3 =	vand.u32 $0x7, v3  }
0x18a: {  	v3 =	vor.u32 v3, v4  }
0x18b: {  	v4 =	vperm.xlane v3, v0;
	_ =	sdelay $0x1  }
0x18c: {  	v4 =	vadd.s32 v1, v4;
	_ =	sdelay $0x3  }
0x18d: {  	v3 =	vperm.xlane v3, v2  }
0x18e: {  	[tilespmem:s14], [sflag:$0x6] =	stream.indirect_vreg.gather [hbm4b:s2+s3], $0x80, v4, vm0, $0xb8;
	[tilespmem:$0x1E100] =	vst v63  }
0x18f: {  	s25 =	simm.s32 $0xF900;
	v3 =	vadd.s32 v1, v3  }
0x190: {  	[tilespmem:s25], [sflag:$0x6] =	stream.indirect_vreg.gather [hbm4b:s5+s3], $0x80, v4, vm0, $0xb8;
	[tilespmem:$0x1E100] =	vst v63  }
0x191: {  	s25 =	simm.s32 $0x10100  }
0x192: {  	[tilespmem:s25], [sflag:$0x6] =	stream.indirect_vreg.gather [hbm4b:s6+s3], $0x80, v4, vm0, $0xb8;
	[tilespmem:$0x1E100] =	vst v63  }
0x193: {  	s25 =	simm.s32 $0x10900  }
0x194: {  	[tilespmem:s25], [sflag:$0x6] =	stream.indirect_vreg.gather [hbm4b:s2+s3], $0x80, v3, vm0, $0xb8;
	[tilespmem:$0x1E100] =	vst v63  }
0x195: {  	s25 =	simm.s32 $0x11100  }
0x196: {  	[tilespmem:s25], [sflag:$0x6] =	stream.indirect_vreg.gather [hbm4b:s5+s3], $0x80, v3, vm0, $0xb8;
	[tilespmem:$0x1E100] =	vst v63  }
0x197: {  	s25 =	simm.s32 $0x11900  }
0x198: {  	[tilespmem:s25], [sflag:$0x6] =	stream.indirect_vreg.gather [hbm4b:s6+s3], $0x80, v3, vm0, $0xb8;
	[tilespmem:$0x1E100] =	vst v63  }
0x199: {  	s25 =	simm.s32 $0x7  }
0x19a: {  	_ =	swait.ge [sflag:s25], $0x3000  }
0x19b: {  	[sflag:s25] =	ssyncset.done $0x0  }
0x19c: {  	s4 =	rddreg [dreg:$0xa];
	[sflag:s25] =	ssyncadd.s32 $0xFFFFD000;
	s25 =	simm.s32 $0x12100  }
0x19d: {  	[hbm4b:s4+s3] =	stream.linear.scatter [tilespmem:s25], [sflag:$0x11], $0x3000, $0x38;
	[tilespmem:$0x1E100] =	vst v63  }
0x19e: {  	s25 =	simm.s32 $0x8  }
0x19f: {  	_ =	swait.ge [sflag:s25], $0x3000  }
0x1a0: {  	[sflag:s25] =	ssyncset.done $0x0  }
0x1a1: {  	s4 =	rddreg [dreg:$0xb];
	[sflag:s25] =	ssyncadd.s32 $0xFFFFD000;
	s25 =	simm.s32 $0x15100  }
0x1a2: {  	[hbm4b:s4+s3] =	stream.linear.scatter [tilespmem:s25], [sflag:$0x12], $0x3000, $0x38;
	[tilespmem:$0x1E100] =	vst v63  }
0x1a3: {  	s25 =	simm.s32 $0x9  }
0x1a4: {  	_ =	swait.ge [sflag:s25], $0x3000  }
0x1a5: {  	[sflag:s25] =	ssyncset.done $0x0  }
0x1a6: {  	s4 =	rddreg [dreg:$0xc];
	[sflag:s25] =	ssyncadd.s32 $0xFFFFD000  }
0x1a7: {  	[hbm4b:s4+s3] =	stream.linear.scatter [tilespmem:s16], [sflag:$0x13], $0x3000, $0x38;
	[tilespmem:$0x1E100] =	vst v63  }
0x1a8: {  	s4 =	simm.s32 $0xA  }
0x1a9: {  	_ =	swait.ge [sflag:s4], $0x3000  }
0x1aa: {  	[sflag:s4] =	ssyncset.done $0x0  }
0x1ab: {  	s25 =	rddreg [dreg:$0xd];
	[sflag:s4] =	ssyncadd.s32 $0xFFFFD000  }
0x1ac: {  	[hbm4b:s25+s3] =	stream.linear.scatter [tilespmem:s18], [sflag:$0x14], $0x3000, $0x38;
	[tilespmem:$0x1E100] =	vst v63  }
0x1ad: {  	_ =	swait.ge [sflag:s20], $0x3000  }
0x1ae: {  	[sflag:s20] =	ssyncset.done $0x0  }
0x1af: {  	s16 =	rddreg [dreg:$0xe];
	[sflag:s20] =	ssyncadd.s32 $0xFFFFD000  }
0x1b0: {  	[hbm4b:s16+s3] =	stream.linear.scatter [tilespmem:s15], [sflag:$0xB], $0x3000, $0x38;
	[tilespmem:$0x1E100] =	vst v63  }
0x1b1: {  	_ =	swait.ge [sflag:s22], $0x3000  }
0x1b2: {  	[sflag:s22] =	ssyncset.done $0x0  }
0x1b3: {  	s20 =	rddreg [dreg:$0xf];
	[sflag:s22] =	ssyncadd.s32 $0xFFFFD000  }
0x1b4: {  	[hbm4b:s20+s3] =	stream.linear.scatter [tilespmem:s21], [sflag:$0xC], $0x3000, $0x38;
	[tilespmem:$0x1E100] =	vst v63  }
0x1b5: {  	_ =	swait.ge [sflag:s8], $0x3000  }
0x1b6: {  	[sflag:s8] =	ssyncset.done $0x0  }
0x1b7: {  	s22 =	rddreg [dreg:$0x10];
	[sflag:s8] =	ssyncadd.s32 $0xFFFFD000  }
0x1b8: {  	[hbm4b:s22+s3] =	stream.linear.scatter [tilespmem:s29], [sflag:$0xD], $0x3000, $0x38;
	[tilespmem:$0x1E100] =	vst v63  }
0x1b9: {  	_ =	swait.ge [sflag:s1], $0x3000  }
0x1ba: {  	[sflag:s1] =	ssyncset.done $0x0  }
0x1bb: {  	s25 =	rddreg [dreg:$0x11];
	[sflag:s1] =	ssyncadd.s32 $0xFFFFD000  }
0x1bc: {  	[hbm4b:s25+s3] =	stream.linear.scatter [tilespmem:s12], [sflag:$0xE], $0x3000, $0x38;
	[tilespmem:$0x1E100] =	vst v63  }
0x1bd: {  	_ =	swait.ge [sflag:s11], $0x3000  }
0x1be: {  	[sflag:s11] =	ssyncset.done $0x0  }
0x1bf: {  	s8 =	rddreg [dreg:$0x12];
	[sflag:s11] =	ssyncadd.s32 $0xFFFFD000  }
0x1c0: {  	[hbm4b:s8+s3] =	stream.linear.scatter [tilespmem:s13], [sflag:$0xF], $0x3000, $0x38;
	[tilespmem:$0x1E100] =	vst v63  }
0x1c1: {  	_ =	swait.ge [sflag:s24], $0x3000  }
0x1c2: {  	[sflag:s24] =	ssyncset.done $0x0  }
0x1c3: {  	s20 =	simm.s32 $0x11;
	s16 =	rddreg [dreg:$0x13];
	[sflag:s24] =	ssyncadd.s32 $0xFFFFD000  }
0x1c4: {  	[hbm4b:s16+s3] =	stream.linear.scatter [tilespmem:s14], [sflag:$0x10], $0x3000, $0x38;
	[tilespmem:$0x1E100] =	vst v63  }
0x1c5: {  	_ =	swait.ge [sflag:s20], $0x3000  }
0x1c6: {  	[sflag:s20] =	ssyncset.done $0x0  }
0x1c7: {  	s22 =	simm.s32 $0x12;
	[sflag:s20] =	ssyncadd.s32 $0xFFFFD000  }
0x1c8: {  	_ =	swait.ge [sflag:s22], $0x3000  }
0x1c9: {  	[sflag:s22] =	ssyncset.done $0x0  }
0x1ca: {  	s24 =	simm.s32 $0x13;
	[sflag:s22] =	ssyncadd.s32 $0xFFFFD000  }
0x1cb: {  	_ =	swait.ge [sflag:s24], $0x3000  }
0x1cc: {  	[sflag:s24] =	ssyncset.done $0x0  }
0x1cd: {  	s25 =	simm.s32 $0x14;
	[sflag:s24] =	ssyncadd.s32 $0xFFFFD000  }
0x1ce: {  	_ =	swait.ge [sflag:s25], $0x3000  }
0x1cf: {  	[sflag:s25] =	ssyncset.done $0x0  }
0x1d0: {  	[sflag:s25] =	ssyncadd.s32 $0xFFFFD000  }
0x1d1: {  	_ =	swait.ge [sflag:s0], $0x3000  }
0x1d2: {  	[sflag:s0] =	ssyncset.done $0x0  }
0x1d3: {  	[sflag:s0] =	ssyncadd.s32 $0xFFFFD000  }
0x1d4: {  	_ =	swait.ge [sflag:s23], $0x3000  }
0x1d5: {  	[sflag:s23] =	ssyncset.done $0x0  }
0x1d6: {  	[sflag:s23] =	ssyncadd.s32 $0xFFFFD000  }
0x1d7: {  	_ =	swait.ge [sflag:s9], $0x3000  }
0x1d8: {  	[sflag:s9] =	ssyncset.done $0x0  }
0x1d9: {  	[sflag:s9] =	ssyncadd.s32 $0xFFFFD000  }
0x1da: {  	_ =	swait.ge [sflag:s10], $0x3000  }
0x1db: {  	[sflag:s10] =	ssyncset.done $0x0  }
0x1dc: {  	[sflag:s10] =	ssyncadd.s32 $0xFFFFD000  }
0x1dd: {  	p0 =	sne.s32 s7, $0x1;
	_ =	swait.ge [sflag:s17], $0x3000  }
.Ltmp0:
0x1de: {  	[sflag:s17] =	ssyncset.done $0x0;
	(pc) =	sbr.rel @p0 .LBB2_1-.Ltmp0, $4  }
0x1df: {  	[sflag:s17] =	ssyncadd.s32 $0xFFFFD000  }
0x1e0: {  	_ =	swait.ge [sflag:s19], $0x3000  }
0x1e1: {  	[sflag:s19] =	ssyncset.done $0x0  }
0x1e2: {  	s7 =	sadd.s32 $0xFFFFFFFF, s7;
	[sflag:s19] =	ssyncadd.s32 $0xFFFFD000  }
0x1e3: {  	_ =	sfence.sel $0x180000  }
0x1e4: {  	[bflag:$0x0] =	sbarrier.arrive $0xFFFF  }
0x1e5: {  	_ =	strace $0x90000047  }
0x1e6: {  	s0 =	stileid.u32;
	[bflag:$0x2] =	sbarrier.arrive $0xFFFF  }
0x1e7: {  	p0 =	sne.s32 s0, $0x0;
	s0 =	rddreg [dreg:$0x3]  }
0x1e8: {  	s0 =	sadd.s32 @!p0 $0x100000, s0  }
0x1e9: {  	[sflag:s0] =	ssyncadd.tile.s32 @!p0 $0x1;
	_ =	shalt  }
.Lfunc_end2:
_tile_overlayer_lowered:
.L_overlay_start_2:
0x1ea: {  	(tag) =	ssettag $0x2  }
0x1eb: {  	s0 =	rddreg [dreg:$0x0];
	s2 =	stileid.u32  }
0x1ec: {  	s1 =	rddreg [dreg:$0x1];
	p0 =	sne.s32 s2, $0x0  }
0x1ed: {  	s3 =	rddreg [dreg:$0x2];
	[bflag:$0x3] =	sbarrier.arrive $0xFFFF;
	s2 =	simm.s32 @!p0 $0x1C15  }
0x1ee: {  	[timem:s3], [sflag:s2] =	dma.local @!p0 [hbm:s0], s1  }
0x1ef: {  	s0 =	simm.s32 @!p0 $0x15  }
0x1f0: {  	_ =	swait.ge @!p0 [sflag:s0], s1  }
0x1f1: {  	s1 =	ssub.s32 @!p0 $0x0, s1;
	[sflag:s0] =	ssyncset.done @!p0 $0x0  }
0x1f2: {  	[sflag:s0] =	ssyncadd.s32 @!p0 s1  }
0x1f3: {  	[bflag:$0x3] =	sbarrier.arrive $0xFFFF  }
0x1f4: {  	_ =	shalt  }

</sc_bundles>
